<compile_context>
chip_gen: v7x
topology: tpu7x:2x2x1
jax: 0.10.2.dev20260603
libtpu: 0.0.44.dev20260713+nightly
codegen_flags: <defaults>
</compile_context>

<pallas_src>
import functools

import jax
import jax.numpy as jnp
from jax import lax
from jax.experimental import pallas as pl
from jax.experimental.pallas import tpu as pltpu
from jax.experimental.pallas import tpu_sc as plsc

K = 8192
CD = 256
BM = 512


def _dist_argmin_body(x_ref, cb_ref, xsq_ref, csq_ref, idx_ref, loss_ref):
    i = pl.program_id(0)
    xm2 = (-2.0 * x_ref[...]).astype(jnp.bfloat16)
    xc2 = lax.dot_general(
        xm2, cb_ref[...],
        dimension_numbers=(((1,), (1,)), ((), ())),
        preferred_element_type=jnp.float32,
    )
    scores = (xsq_ref[...] + xc2) + csq_ref[...]
    cur_min = jnp.min(scores, axis=1, keepdims=True)
    n_iota = lax.broadcasted_iota(jnp.int32, (1, K), 1).astype(jnp.float32)
    cur_idx = jnp.min(jnp.where(scores == cur_min, n_iota, jnp.float32(K)),
                      axis=1, keepdims=True)
    idx_ref[0, 0, :] = cur_idx[:, 0].astype(jnp.int32)

    @pl.when(i == 0)
    def _():
        loss_ref[...] = jnp.zeros((1, 1), jnp.float32)

    loss_ref[...] += jnp.sum(cur_min, axis=0, keepdims=True)


def _nearest_codes(x, codebook):
    m = x.shape[0]
    n_tiles = m // BM
    x_sq = jnp.sum(x * x, axis=-1, keepdims=True)
    c_sq = jnp.sum(codebook * codebook, axis=-1)[None, :]
    cb = codebook.astype(jnp.bfloat16)
    idx3, loss = pl.pallas_call(
        _dist_argmin_body,
        grid=(n_tiles,),
        in_specs=[
            pl.BlockSpec((BM, CD), lambda i: (i, 0)),
            pl.BlockSpec((K, CD), lambda i: (0, 0)),
            pl.BlockSpec((BM, 1), lambda i: (i, 0)),
            pl.BlockSpec((1, K), lambda i: (0, 0)),
        ],
        out_specs=[
            pl.BlockSpec((1, 1, BM), lambda i: (i, 0, 0)),
            pl.BlockSpec((1, 1), lambda i: (0, 0)),
        ],
        out_shape=[
            jax.ShapeDtypeStruct((n_tiles, 1, BM), jnp.int32),
            jax.ShapeDtypeStruct((1, 1), jnp.float32),
        ],
    )(x, cb, x_sq, c_sq)
    return idx3.reshape(m), loss[0, 0]


def _make_sc_gather(n_rows):
    info = plsc.get_sparse_core_info()
    nw = info.num_cores * info.num_subcores
    b_per_w = n_rows // nw
    chunk = 144
    n_chunks = b_per_w // chunk
    mesh = plsc.VectorSubcoreMesh(core_axis_name="c", subcore_axis_name="s")

    @functools.partial(
        pl.kernel,
        mesh=mesh,
        out_type=jax.ShapeDtypeStruct((n_rows, CD), jnp.float32),
        scratch_types=[
            pltpu.VMEM((b_per_w,), jnp.int32),
            pltpu.VMEM((chunk, CD), jnp.float32),
            pltpu.VMEM((chunk, CD), jnp.float32),
            pltpu.SemaphoreType.DMA,
            pltpu.SemaphoreType.DMA,
        ],
    )
    def gather_rows(table_hbm, idx_hbm, out_hbm, idx_v, rows_a, rows_b, sem_a,
                    sem_b):
        wid = lax.axis_index("s") * info.num_cores + lax.axis_index("c")
        base = wid * b_per_w
        pltpu.sync_copy(idx_hbm.at[pl.ds(base, b_per_w)], idx_v)
        bufs = (rows_a, rows_b)
        sems = (sem_a, sem_b)
        copies = [None] * n_chunks
        copies[0] = pltpu.async_copy(
            table_hbm.at[idx_v.at[pl.ds(0, chunk)]], bufs[0], sems[0])
        for cix in range(n_chunks):
            nxt = cix + 1
            if nxt < n_chunks:
                copies[nxt] = pltpu.async_copy(
                    table_hbm.at[idx_v.at[pl.ds(nxt * chunk, chunk)]],
                    bufs[nxt % 2], sems[nxt % 2])
            copies[cix].wait()
            pltpu.sync_copy(bufs[cix % 2],
                            out_hbm.at[pl.ds(base + cix * chunk, chunk)])

    return gather_rows


def kernel(z, codebook):
    cd = codebook.shape[1]
    shp = z.shape
    z_grouped = z.reshape(shp[:-1] + (-1, cd))
    orig_shape = z_grouped.shape
    x = z_grouped.reshape((-1, cd))

    indices_flat, loss_sum = _nearest_codes(x, codebook)
    quantize = _make_sc_gather(x.shape[0])(codebook, indices_flat)

    commit_loss = loss_sum / jnp.float32(x.size)
    indices = indices_flat.reshape(orig_shape[:-1])
    codes = quantize.reshape(orig_shape[:-2] + (orig_shape[-2] * cd,))
    return codes, indices, z_grouped, commit_loss

# --- scband reference (transcript-rebuilt; emitter-appended) ---
"""Pipeline reference for scband-vqquantizer-30064771072206 (READ-ONLY COPY).

The authoritative reference and input builder live on the scoring server;
editing this copy changes nothing except your own understanding.
"""

import jax, jax.numpy as jnp
import numpy as np

CODEBOOK_SIZE = 8192
CODE_DIM = 256


def setup_inputs(seed: int = 0) -> dict:
    key = jax.random.key(seed)
    k1, k2 = jax.random.split(key)
    z = jax.random.normal(k1, (16, 576, 512), dtype=jnp.float32)
    # learned codebook (VectorQuantize internal embedding), shape [K, code_dim]
    codebook = jax.random.normal(k2, (CODEBOOK_SIZE, CODE_DIM), dtype=jnp.float32) * 0.02
    return {"z": z, "codebook": codebook}


def reference(z, codebook):
    cd = codebook.shape[1]
    shp = z.shape
    # group last dim into vectors of size codebook_dim
    z_grouped = z.reshape(shp[:-1] + (-1, cd))
    orig_shape = z_grouped.shape
    z_flat = z_grouped.reshape((-1, orig_shape[-2], cd))
    # flatten all vectors for euclidean nearest-neighbor against the codebook
    x = z_flat.reshape((-1, cd))
    # squared euclidean distances: ||x||^2 - 2 x.c + ||c||^2  (compute-heavy matmul)
    x_sq = jnp.sum(x * x, axis=-1, keepdims=True)
    c_sq = jnp.sum(codebook * codebook, axis=-1)[None, :]
    dist = x_sq - 2.0 * (x @ codebook.T) + c_sq
    indices = jnp.argmin(dist, axis=-1)
    quantize = jnp.take(codebook, indices, axis=0)
    # commitment loss (codebook detached, as in vector_quantize_pytorch default)
    commit_loss = jnp.mean((jax.lax.stop_gradient(quantize) - x) ** 2)
    # straight-through estimator
    z_q = x + jax.lax.stop_gradient(quantize - x)
    z_q = z_q.reshape(orig_shape)
    indices = indices.reshape(orig_shape[:-1])
    codes = z_q.reshape(orig_shape[:-2] + (orig_shape[-2] * cd,))
    # mirrors dict: codes, indices, z (grouped), state (= codes), commit_loss
    return codes, indices, z_grouped, commit_loss

if __name__ == "__main__":
    import jax
    _d = setup_inputs()
    print(jax.jit(kernel)(*tuple(_d.values())))

</pallas_src>

<mosaic_0001>
#map = affine_map<(d0, d1) -> (0, 0)>
#map1 = affine_map<(d0, d1) -> (0)>
module attributes {stable_mosaic.version = 14 : i64} {
  func.func @gather_rows(%arg0: i32, %arg1: i32, %arg2: memref<8192x256xf32, #tpu.memory_space<hbm>>, %arg3: memref<18432xi32, #tpu.memory_space<hbm>>, %arg4: memref<18432x256xf32, #tpu.memory_space<hbm>>, %arg5: memref<576xi32, #tpu.memory_space<vmem>>, %arg6: memref<144x256xf32, #tpu.memory_space<vmem>>, %arg7: memref<144x256xf32, #tpu.memory_space<vmem>>, %arg8: memref<!tpu.dma_semaphore, #tpu.memory_space<semaphore_mem>>, %arg9: memref<!tpu.dma_semaphore, #tpu.memory_space<semaphore_mem>>) attributes {dimension_semantics = [#tpu.dimension_semantics<core_parallel>, #tpu.dimension_semantics<subcore_parallel>], iteration_bounds = array<i64: 2, 16>, scalar_prefetch = 0 : i64, scratch_operands = 5 : i64, tpu.core_type = #tpu.core_type<sc_vector_subcore>, window_params = [{transform_indices = #map}, {transform_indices = #map1}, {transform_indices = #map}]} {
    %mul3A = arith.constant 2 : i32
    %mul3A_0 = arith.muli %arg1, %mul3A : i32
    %add3A = arith.addi %mul3A_0, %arg0 : i32
    %mul3A_1 = arith.constant 576 : i32
    %mul3A_2 = arith.muli %add3A, %mul3A_1 : i32
    "tpu.region"() ({
      %run_scoped3A = tpu.sem_alloc : memref<!tpu.dma_semaphore, #tpu.memory_space<semaphore_mem>>
      %dma_start3A_49 = tpu.memref_slice %arg3[%mul3A_2] : memref<18432xi32, #tpu.memory_space<hbm>> -> memref<576xi32, #tpu.memory_space<hbm>>
      %dma_start3A_50 = tpu.memref_slice %arg3[%mul3A_2] : memref<18432xi32, #tpu.memory_space<hbm>> -> memref<576xi32, #tpu.memory_space<hbm>>
      tpu.enqueue_dma source(%dma_start3A_50 : memref<576xi32, #tpu.memory_space<hbm>>) target(%arg5 : memref<576xi32, #tpu.memory_space<vmem>>) target_semaphore(%run_scoped3A : memref<!tpu.dma_semaphore, #tpu.memory_space<semaphore_mem>>)
      %dma_wait3A_51 = tpu.memref_slice %arg3[%mul3A_2] : memref<18432xi32, #tpu.memory_space<hbm>> -> memref<576xi32, #tpu.memory_space<hbm>>
      %dma_wait3A_52 = tpu.memref_slice %arg3[%mul3A_2] : memref<18432xi32, #tpu.memory_space<hbm>> -> memref<576xi32, #tpu.memory_space<hbm>>
      tpu.wait_dma2 semaphore(%run_scoped3A : memref<!tpu.dma_semaphore, #tpu.memory_space<semaphore_mem>>) src(%dma_wait3A_52 : memref<576xi32, #tpu.memory_space<hbm>>) dst(%arg5 : memref<576xi32, #tpu.memory_space<vmem>>)
      tpu.yield
    }) : () -> ()
    %dma_start3A = arith.constant 0 : i32
    %dma_start3A_3 = tpu.memref_slice %arg5[%dma_start3A] : memref<576xi32, #tpu.memory_space<vmem>> -> memref<144xi32, #tpu.memory_space<vmem>>
    %dma_start3A_4 = arith.constant 0 : i32
    %dma_start3A_5 = arith.constant 0 : i32
    %dma_start3A_6 = tpu.memref_slice %arg2[%dma_start3A_4, %dma_start3A_5] : memref<8192x256xf32, #tpu.memory_space<hbm>> -> memref<8192x256xf32, #tpu.memory_space<hbm>>
    tpu.enqueue_indirect_dma source(%dma_start3A_6 : memref<8192x256xf32, #tpu.memory_space<hbm>>) target(%arg6 : memref<144x256xf32, #tpu.memory_space<vmem>>) offsets(%dma_start3A_3 : memref<144xi32, #tpu.memory_space<vmem>>) semaphore(%arg8 : memref<!tpu.dma_semaphore, #tpu.memory_space<semaphore_mem>>)
    %dma_start3A_7 = arith.constant 144 : i32
    %dma_start3A_8 = tpu.memref_slice %arg5[%dma_start3A_7] : memref<576xi32, #tpu.memory_space<vmem>> -> memref<144xi32, #tpu.memory_space<vmem>>
    %dma_start3A_9 = arith.constant 0 : i32
    %dma_start3A_10 = arith.constant 0 : i32
    %dma_start3A_11 = tpu.memref_slice %arg2[%dma_start3A_9, %dma_start3A_10] : memref<8192x256xf32, #tpu.memory_space<hbm>> -> memref<8192x256xf32, #tpu.memory_space<hbm>>
    tpu.enqueue_indirect_dma source(%dma_start3A_11 : memref<8192x256xf32, #tpu.memory_space<hbm>>) target(%arg7 : memref<144x256xf32, #tpu.memory_space<vmem>>) offsets(%dma_start3A_8 : memref<144xi32, #tpu.memory_space<vmem>>) semaphore(%arg9 : memref<!tpu.dma_semaphore, #tpu.memory_space<semaphore_mem>>)
    %dma_wait3A = arith.constant 0 : i32
    %dma_wait3A_12 = tpu.memref_slice %arg5[%dma_wait3A] : memref<576xi32, #tpu.memory_space<vmem>> -> memref<144xi32, #tpu.memory_space<vmem>>
    %dma_wait3A_13 = arith.constant 0 : i32
    %dma_wait3A_14 = arith.constant 0 : i32
    %dma_wait3A_15 = tpu.memref_slice %arg2[%dma_wait3A_13, %dma_wait3A_14] : memref<8192x256xf32, #tpu.memory_space<hbm>> -> memref<8192x256xf32, #tpu.memory_space<hbm>>
    tpu.wait_indirect_dma semaphore(%arg8 : memref<!tpu.dma_semaphore, #tpu.memory_space<semaphore_mem>>) src(%dma_wait3A_15 : memref<8192x256xf32, #tpu.memory_space<hbm>>) dst(%arg6 : memref<144x256xf32, #tpu.memory_space<vmem>>)
    %add3A_16 = arith.constant 0 : i32
    %add3A_17 = arith.addi %mul3A_2, %add3A_16 : i32
    "tpu.region"() ({
      %run_scoped3A = tpu.sem_alloc : memref<!tpu.dma_semaphore, #tpu.memory_space<semaphore_mem>>
      %dma_start3A_49 = arith.constant 0 : i32
      %dma_start3A_50 = tpu.memref_slice %arg4[%add3A_17, %dma_start3A_49] : memref<18432x256xf32, #tpu.memory_space<hbm>> -> memref<144x256xf32, #tpu.memory_space<hbm>>
      %dma_start3A_51 = arith.constant 0 : i32
      %dma_start3A_52 = tpu.memref_slice %arg4[%add3A_17, %dma_start3A_51] : memref<18432x256xf32, #tpu.memory_space<hbm>> -> memref<144x256xf32, #tpu.memory_space<hbm>>
      tpu.enqueue_dma source(%arg6 : memref<144x256xf32, #tpu.memory_space<vmem>>) target(%dma_start3A_52 : memref<144x256xf32, #tpu.memory_space<hbm>>) target_semaphore(%run_scoped3A : memref<!tpu.dma_semaphore, #tpu.memory_space<semaphore_mem>>)
      %dma_wait3A_53 = arith.constant 0 : i32
      %dma_wait3A_54 = tpu.memref_slice %arg4[%add3A_17, %dma_wait3A_53] : memref<18432x256xf32, #tpu.memory_space<hbm>> -> memref<144x256xf32, #tpu.memory_space<hbm>>
      %dma_wait3A_55 = arith.constant 0 : i32
      %dma_wait3A_56 = tpu.memref_slice %arg4[%add3A_17, %dma_wait3A_55] : memref<18432x256xf32, #tpu.memory_space<hbm>> -> memref<144x256xf32, #tpu.memory_space<hbm>>
      tpu.wait_dma2 semaphore(%run_scoped3A : memref<!tpu.dma_semaphore, #tpu.memory_space<semaphore_mem>>) src(%arg6 : memref<144x256xf32, #tpu.memory_space<vmem>>) dst(%dma_wait3A_56 : memref<144x256xf32, #tpu.memory_space<hbm>>)
      tpu.yield
    }) : () -> ()
    %dma_start3A_18 = arith.constant 288 : i32
    %dma_start3A_19 = tpu.memref_slice %arg5[%dma_start3A_18] : memref<576xi32, #tpu.memory_space<vmem>> -> memref<144xi32, #tpu.memory_space<vmem>>
    %dma_start3A_20 = arith.constant 0 : i32
    %dma_start3A_21 = arith.constant 0 : i32
    %dma_start3A_22 = tpu.memref_slice %arg2[%dma_start3A_20, %dma_start3A_21] : memref<8192x256xf32, #tpu.memory_space<hbm>> -> memref<8192x256xf32, #tpu.memory_space<hbm>>
    tpu.enqueue_indirect_dma source(%dma_start3A_22 : memref<8192x256xf32, #tpu.memory_space<hbm>>) target(%arg6 : memref<144x256xf32, #tpu.memory_space<vmem>>) offsets(%dma_start3A_19 : memref<144xi32, #tpu.memory_space<vmem>>) semaphore(%arg8 : memref<!tpu.dma_semaphore, #tpu.memory_space<semaphore_mem>>)
    %dma_wait3A_23 = arith.constant 144 : i32
    %dma_wait3A_24 = tpu.memref_slice %arg5[%dma_wait3A_23] : memref<576xi32, #tpu.memory_space<vmem>> -> memref<144xi32, #tpu.memory_space<vmem>>
    %dma_wait3A_25 = arith.constant 0 : i32
    %dma_wait3A_26 = arith.constant 0 : i32
    %dma_wait3A_27 = tpu.memref_slice %arg2[%dma_wait3A_25, %dma_wait3A_26] : memref<8192x256xf32, #tpu.memory_space<hbm>> -> memref<8192x256xf32, #tpu.memory_space<hbm>>
    tpu.wait_indirect_dma semaphore(%arg9 : memref<!tpu.dma_semaphore, #tpu.memory_space<semaphore_mem>>) src(%dma_wait3A_27 : memref<8192x256xf32, #tpu.memory_space<hbm>>) dst(%arg7 : memref<144x256xf32, #tpu.memory_space<vmem>>)
    %add3A_28 = arith.constant 144 : i32
    %add3A_29 = arith.addi %mul3A_2, %add3A_28 : i32
    "tpu.region"() ({
      %run_scoped3A = tpu.sem_alloc : memref<!tpu.dma_semaphore, #tpu.memory_space<semaphore_mem>>
      %dma_start3A_49 = arith.constant 0 : i32
      %dma_start3A_50 = tpu.memref_slice %arg4[%add3A_29, %dma_start3A_49] : memref<18432x256xf32, #tpu.memory_space<hbm>> -> memref<144x256xf32, #tpu.memory_space<hbm>>
      %dma_start3A_51 = arith.constant 0 : i32
      %dma_start3A_52 = tpu.memref_slice %arg4[%add3A_29, %dma_start3A_51] : memref<18432x256xf32, #tpu.memory_space<hbm>> -> memref<144x256xf32, #tpu.memory_space<hbm>>
      tpu.enqueue_dma source(%arg7 : memref<144x256xf32, #tpu.memory_space<vmem>>) target(%dma_start3A_52 : memref<144x256xf32, #tpu.memory_space<hbm>>) target_semaphore(%run_scoped3A : memref<!tpu.dma_semaphore, #tpu.memory_space<semaphore_mem>>)
      %dma_wait3A_53 = arith.constant 0 : i32
      %dma_wait3A_54 = tpu.memref_slice %arg4[%add3A_29, %dma_wait3A_53] : memref<18432x256xf32, #tpu.memory_space<hbm>> -> memref<144x256xf32, #tpu.memory_space<hbm>>
      %dma_wait3A_55 = arith.constant 0 : i32
      %dma_wait3A_56 = tpu.memref_slice %arg4[%add3A_29, %dma_wait3A_55] : memref<18432x256xf32, #tpu.memory_space<hbm>> -> memref<144x256xf32, #tpu.memory_space<hbm>>
      tpu.wait_dma2 semaphore(%run_scoped3A : memref<!tpu.dma_semaphore, #tpu.memory_space<semaphore_mem>>) src(%arg7 : memref<144x256xf32, #tpu.memory_space<vmem>>) dst(%dma_wait3A_56 : memref<144x256xf32, #tpu.memory_space<hbm>>)
      tpu.yield
    }) : () -> ()
    %dma_start3A_30 = arith.constant 432 : i32
    %dma_start3A_31 = tpu.memref_slice %arg5[%dma_start3A_30] : memref<576xi32, #tpu.memory_space<vmem>> -> memref<144xi32, #tpu.memory_space<vmem>>
    %dma_start3A_32 = arith.constant 0 : i32
    %dma_start3A_33 = arith.constant 0 : i32
    %dma_start3A_34 = tpu.memref_slice %arg2[%dma_start3A_32, %dma_start3A_33] : memref<8192x256xf32, #tpu.memory_space<hbm>> -> memref<8192x256xf32, #tpu.memory_space<hbm>>
    tpu.enqueue_indirect_dma source(%dma_start3A_34 : memref<8192x256xf32, #tpu.memory_space<hbm>>) target(%arg7 : memref<144x256xf32, #tpu.memory_space<vmem>>) offsets(%dma_start3A_31 : memref<144xi32, #tpu.memory_space<vmem>>) semaphore(%arg9 : memref<!tpu.dma_semaphore, #tpu.memory_space<semaphore_mem>>)
    %dma_wait3A_35 = arith.constant 288 : i32
    %dma_wait3A_36 = tpu.memref_slice %arg5[%dma_wait3A_35] : memref<576xi32, #tpu.memory_space<vmem>> -> memref<144xi32, #tpu.memory_space<vmem>>
    %dma_wait3A_37 = arith.constant 0 : i32
    %dma_wait3A_38 = arith.constant 0 : i32
    %dma_wait3A_39 = tpu.memref_slice %arg2[%dma_wait3A_37, %dma_wait3A_38] : memref<8192x256xf32, #tpu.memory_space<hbm>> -> memref<8192x256xf32, #tpu.memory_space<hbm>>
    tpu.wait_indirect_dma semaphore(%arg8 : memref<!tpu.dma_semaphore, #tpu.memory_space<semaphore_mem>>) src(%dma_wait3A_39 : memref<8192x256xf32, #tpu.memory_space<hbm>>) dst(%arg6 : memref<144x256xf32, #tpu.memory_space<vmem>>)
    %add3A_40 = arith.constant 288 : i32
    %add3A_41 = arith.addi %mul3A_2, %add3A_40 : i32
    "tpu.region"() ({
      %run_scoped3A = tpu.sem_alloc : memref<!tpu.dma_semaphore, #tpu.memory_space<semaphore_mem>>
      %dma_start3A_49 = arith.constant 0 : i32
      %dma_start3A_50 = tpu.memref_slice %arg4[%add3A_41, %dma_start3A_49] : memref<18432x256xf32, #tpu.memory_space<hbm>> -> memref<144x256xf32, #tpu.memory_space<hbm>>
      %dma_start3A_51 = arith.constant 0 : i32
      %dma_start3A_52 = tpu.memref_slice %arg4[%add3A_41, %dma_start3A_51] : memref<18432x256xf32, #tpu.memory_space<hbm>> -> memref<144x256xf32, #tpu.memory_space<hbm>>
      tpu.enqueue_dma source(%arg6 : memref<144x256xf32, #tpu.memory_space<vmem>>) target(%dma_start3A_52 : memref<144x256xf32, #tpu.memory_space<hbm>>) target_semaphore(%run_scoped3A : memref<!tpu.dma_semaphore, #tpu.memory_space<semaphore_mem>>)
      %dma_wait3A_53 = arith.constant 0 : i32
      %dma_wait3A_54 = tpu.memref_slice %arg4[%add3A_41, %dma_wait3A_53] : memref<18432x256xf32, #tpu.memory_space<hbm>> -> memref<144x256xf32, #tpu.memory_space<hbm>>
      %dma_wait3A_55 = arith.constant 0 : i32
      %dma_wait3A_56 = tpu.memref_slice %arg4[%add3A_41, %dma_wait3A_55] : memref<18432x256xf32, #tpu.memory_space<hbm>> -> memref<144x256xf32, #tpu.memory_space<hbm>>
      tpu.wait_dma2 semaphore(%run_scoped3A : memref<!tpu.dma_semaphore, #tpu.memory_space<semaphore_mem>>) src(%arg6 : memref<144x256xf32, #tpu.memory_space<vmem>>) dst(%dma_wait3A_56 : memref<144x256xf32, #tpu.memory_space<hbm>>)
      tpu.yield
    }) : () -> ()
    %dma_wait3A_42 = arith.constant 432 : i32
    %dma_wait3A_43 = tpu.memref_slice %arg5[%dma_wait3A_42] : memref<576xi32, #tpu.memory_space<vmem>> -> memref<144xi32, #tpu.memory_space<vmem>>
    %dma_wait3A_44 = arith.constant 0 : i32
    %dma_wait3A_45 = arith.constant 0 : i32
    %dma_wait3A_46 = tpu.memref_slice %arg2[%dma_wait3A_44, %dma_wait3A_45] : memref<8192x256xf32, #tpu.memory_space<hbm>> -> memref<8192x256xf32, #tpu.memory_space<hbm>>
    tpu.wait_indirect_dma semaphore(%arg9 : memref<!tpu.dma_semaphore, #tpu.memory_space<semaphore_mem>>) src(%dma_wait3A_46 : memref<8192x256xf32, #tpu.memory_space<hbm>>) dst(%arg7 : memref<144x256xf32, #tpu.memory_space<vmem>>)
    %add3A_47 = arith.constant 432 : i32
    %add3A_48 = arith.addi %mul3A_2, %add3A_47 : i32
    "tpu.region"() ({
      %run_scoped3A = tpu.sem_alloc : memref<!tpu.dma_semaphore, #tpu.memory_space<semaphore_mem>>
      %dma_start3A_49 = arith.constant 0 : i32
      %dma_start3A_50 = tpu.memref_slice %arg4[%add3A_48, %dma_start3A_49] : memref<18432x256xf32, #tpu.memory_space<hbm>> -> memref<144x256xf32, #tpu.memory_space<hbm>>
      %dma_start3A_51 = arith.constant 0 : i32
      %dma_start3A_52 = tpu.memref_slice %arg4[%add3A_48, %dma_start3A_51] : memref<18432x256xf32, #tpu.memory_space<hbm>> -> memref<144x256xf32, #tpu.memory_space<hbm>>
      tpu.enqueue_dma source(%arg7 : memref<144x256xf32, #tpu.memory_space<vmem>>) target(%dma_start3A_52 : memref<144x256xf32, #tpu.memory_space<hbm>>) target_semaphore(%run_scoped3A : memref<!tpu.dma_semaphore, #tpu.memory_space<semaphore_mem>>)
      %dma_wait3A_53 = arith.constant 0 : i32
      %dma_wait3A_54 = tpu.memref_slice %arg4[%add3A_48, %dma_wait3A_53] : memref<18432x256xf32, #tpu.memory_space<hbm>> -> memref<144x256xf32, #tpu.memory_space<hbm>>
      %dma_wait3A_55 = arith.constant 0 : i32
      %dma_wait3A_56 = tpu.memref_slice %arg4[%add3A_48, %dma_wait3A_55] : memref<18432x256xf32, #tpu.memory_space<hbm>> -> memref<144x256xf32, #tpu.memory_space<hbm>>
      tpu.wait_dma2 semaphore(%run_scoped3A : memref<!tpu.dma_semaphore, #tpu.memory_space<semaphore_mem>>) src(%arg7 : memref<144x256xf32, #tpu.memory_space<vmem>>) dst(%dma_wait3A_56 : memref<144x256xf32, #tpu.memory_space<hbm>>)
      tpu.yield
    }) : () -> ()
    return
  }
}

module attributes {stable_mosaic.version = 14 : i64} {
  func.func @_dist_argmin_body(%arg0: i32, %arg1: memref<512x256xf32, #tpu.memory_space<vmem>>, %arg2: memref<8192x256xbf16, #tpu.memory_space<vmem>>, %arg3: memref<512x1xf32, #tpu.memory_space<vmem>>, %arg4: memref<1x8192xf32, #tpu.memory_space<vmem>>, %arg5: memref<1x1x512xi32, #tpu.memory_space<vmem>>, %arg6: memref<1x1xf32, #tpu.memory_space<vmem>>) attributes {dimension_semantics = [#tpu.dimension_semantics<arbitrary>], iteration_bounds = array<i64: 36>, scalar_prefetch = 0 : i64, scratch_operands = 0 : i64, tpu.core_type = #tpu.core_type<tc>, window_params = [{transform_indices = @transform_0, window_bounds = array<i64: 512, 256>}, {pipeline_mode = #tpu.pipeline_mode<synchronous>, transform_indices = @transform_1, window_bounds = array<i64: 8192, 256>}, {transform_indices = @transform_2, window_bounds = array<i64: 512, 1>}, {pipeline_mode = #tpu.pipeline_mode<synchronous>, transform_indices = @transform_3, window_bounds = array<i64: 1, 8192>}, {transform_indices = @transform_4, window_bounds = array<i64: 1, 1, 512>}, {pipeline_mode = #tpu.pipeline_mode<synchronous>, transform_indices = @transform_5, window_bounds = array<i64: 1, 1>}]} {
    %get3A = arith.constant 0 : index
    %get3A_0 = arith.constant 0 : index
    %get3A_1 = vector.load %arg1[%get3A, %get3A_0] : memref<512x256xf32, #tpu.memory_space<vmem>>, vector<512x256xf32>
    %mul3A = arith.constant -2.000000e+00 : f32
    %mul3A_2 = vector.broadcast %mul3A : f32 to vector<512x256xf32>
    %mul3A_3 = arith.mulf %mul3A_2, %get3A_1 : vector<512x256xf32>
    %convert_element_type3A = arith.truncf %mul3A_3 : vector<512x256xf32> to vector<512x256xbf16>
    %get3A_4 = arith.constant 0 : index
    %get3A_5 = arith.constant 0 : index
    %get3A_6 = vector.load %arg2[%get3A_4, %get3A_5] : memref<8192x256xbf16, #tpu.memory_space<vmem>>, vector<8192x256xbf16>
    %dot_general3A = arith.constant dense<0.000000e+00> : vector<512x8192xf32>
    %dot_general3A_7 = tpu.matmul %convert_element_type3A, %get3A_6, %dot_general3A {dimension_numbers = #tpu.dot_dimension_numbers<[1], [1], [0], [0], [0, 0, 1, 0], [], []>, transpose_lhs_hint = false} : vector<512x256xbf16>, vector<8192x256xbf16>, vector<512x8192xf32> -> vector<512x8192xf32>
    %get3A_8 = arith.constant 0 : index
    %get3A_9 = arith.constant 0 : index
    %get3A_10 = vector.load %arg3[%get3A_8, %get3A_9] : memref<512x1xf32, #tpu.memory_space<vmem>>, vector<512x1xf32>
    %add3A = vector.broadcast %get3A_10 : vector<512x1xf32> to vector<512x8192xf32>
    %add3A_11 = arith.addf %add3A, %dot_general3A_7 : vector<512x8192xf32>
    %get3A_12 = arith.constant 0 : index
    %get3A_13 = arith.constant 0 : index
    %get3A_14 = vector.load %arg4[%get3A_12, %get3A_13] : memref<1x8192xf32, #tpu.memory_space<vmem>>, vector<1x8192xf32>
    %add3A_15 = vector.broadcast %get3A_14 : vector<1x8192xf32> to vector<512x8192xf32>
    %add3A_16 = arith.addf %add3A_11, %add3A_15 : vector<512x8192xf32>
    %reduce_min3A = arith.constant dense<0x7F800000> : vector<512xf32>
    %reduce_min3A_17 = vector.multi_reduction <minimumf>, %add3A_16, %reduce_min3A [1] : vector<512x8192xf32> to vector<512xf32>
    %broadcast_in_dim3A = vector.shape_cast %reduce_min3A_17 : vector<512xf32> to vector<512x1xf32>
    %iota3A = tpu.iota {dimensions = array<i32: 1>} : vector<1x8192xi32>
    %convert_element_type3A_18 = arith.sitofp %iota3A : vector<1x8192xi32> to vector<1x8192xf32>
    %eq3A = vector.broadcast %broadcast_in_dim3A : vector<512x1xf32> to vector<512x8192xf32>
    %eq3A_19 = arith.cmpf oeq, %add3A_16, %eq3A : vector<512x8192xf32>
    %jit3A = arith.constant 8.192000e+03 : f32
    %broadcast_in_dim3A_20 = vector.shape_cast %convert_element_type3A_18 : vector<1x8192xf32> to vector<1x8192xf32>
    %broadcast_in_dim3A_21 = vector.broadcast %broadcast_in_dim3A_20 : vector<1x8192xf32> to vector<512x8192xf32>
    %broadcast_in_dim3A_22 = vector.broadcast %jit3A : f32 to vector<512x8192xf32>
    %select_n3A = arith.select %eq3A_19, %broadcast_in_dim3A_21, %broadcast_in_dim3A_22 : vector<512x8192xi1>, vector<512x8192xf32>
    %reduce_min3A_23 = arith.constant dense<0x7F800000> : vector<512xf32>
    %reduce_min3A_24 = vector.multi_reduction <minimumf>, %select_n3A, %reduce_min3A_23 [1] : vector<512x8192xf32> to vector<512xf32>
    %broadcast_in_dim3A_25 = vector.shape_cast %reduce_min3A_24 : vector<512xf32> to vector<512x1xf32>
    %squeeze3A = vector.shape_cast %broadcast_in_dim3A_25 : vector<512x1xf32> to vector<512xf32>
    %convert_element_type3A_26 = arith.fptosi %squeeze3A : vector<512xf32> to vector<512xi32>
    %swap3A = arith.constant 0 : index
    %swap3A_27 = arith.constant 0 : index
    %swap3A_28 = arith.constant 0 : index
    %swap3A_29 = vector.load %arg5[%swap3A, %swap3A_27, %swap3A_28] : memref<1x1x512xi32, #tpu.memory_space<vmem>>, vector<1x1x512xi32>
    %swap3A_30 = vector.shape_cast %swap3A_29 : vector<1x1x512xi32> to vector<512xi32>
    %swap3A_31 = vector.shape_cast %convert_element_type3A_26 : vector<512xi32> to vector<1x1x512xi32>
    tpu.vector_store %arg5[%swap3A, %swap3A_27, %swap3A_28], %swap3A_31 {strides = array<i32>} : memref<1x1x512xi32, #tpu.memory_space<vmem>>, vector<1x1x512xi32>,
    %eq3A_32 = arith.constant 0 : i32
    %eq3A_33 = arith.cmpi eq, %arg0, %eq3A_32 : i32
    %convert_element_type3A_34 = arith.extui %eq3A_33 : i1 to i32
    %cond3A = arith.constant 0 : i32
    %cond3A_35 = arith.cmpi ne, %convert_element_type3A_34, %cond3A : i32
    scf.if %cond3A_35 {
      %broadcast_in_dim3A_45 = arith.constant 0.000000e+00 : f32
      %broadcast_in_dim3A_46 = vector.broadcast %broadcast_in_dim3A_45 : f32 to vector<1x1xf32>
      %swap3A_47 = arith.constant 0 : index
      %swap3A_48 = arith.constant 0 : index
      %swap3A_49 = vector.load %arg6[%swap3A_47, %swap3A_48] : memref<1x1xf32, #tpu.memory_space<vmem>>, vector<1x1xf32>
      tpu.vector_store %arg6[%swap3A_47, %swap3A_48], %broadcast_in_dim3A_46 {strides = array<i32>} : memref<1x1xf32, #tpu.memory_space<vmem>>, vector<1x1xf32>,
    } else {
    }
    %get3A_36 = arith.constant 0 : index
    %get3A_37 = arith.constant 0 : index
    %get3A_38 = vector.load %arg6[%get3A_36, %get3A_37] : memref<1x1xf32, #tpu.memory_space<vmem>>, vector<1x1xf32>
    %reduce_sum3A = arith.constant dense<0.000000e+00> : vector<1xf32>
    %reduce_sum3A_39 = vector.multi_reduction <add>, %broadcast_in_dim3A, %reduce_sum3A [0] : vector<512x1xf32> to vector<1xf32>
    %broadcast_in_dim3A_40 = vector.shape_cast %reduce_sum3A_39 : vector<1xf32> to vector<1x1xf32>
    %add3A_41 = arith.addf %get3A_38, %broadcast_in_dim3A_40 : vector<1x1xf32>
    %swap3A_42 = arith.constant 0 : index
    %swap3A_43 = arith.constant 0 : index
    %swap3A_44 = vector.load %arg6[%swap3A_42, %swap3A_43] : memref<1x1xf32, #tpu.memory_space<vmem>>, vector<1x1xf32>
    tpu.vector_store %arg6[%swap3A_42, %swap3A_43], %add3A_41 {strides = array<i32>} : memref<1x1xf32, #tpu.memory_space<vmem>>, vector<1x1xf32>,
    return
  }
  func.func @transform_0(%arg0: i32) -> (i32, i32) {
    %c0_i32 = arith.constant 0 : i32
    %c0_i32_0 = arith.constant 0 : i32
    return %arg0, %c0_i32 : i32, i32
  }
  func.func @transform_1(%arg0: i32) -> (i32, i32) {
    %c0_i32 = arith.constant 0 : i32
    %c0_i32_0 = arith.constant 0 : i32
    %c0_i32_1 = arith.constant 0 : i32
    return %c0_i32, %c0_i32_0 : i32, i32
  }
  func.func @transform_2(%arg0: i32) -> (i32, i32) {
    %c0_i32 = arith.constant 0 : i32
    %c0_i32_0 = arith.constant 0 : i32
    return %arg0, %c0_i32 : i32, i32
  }
  func.func @transform_3(%arg0: i32) -> (i32, i32) {
    %c0_i32 = arith.constant 0 : i32
    %c0_i32_0 = arith.constant 0 : i32
    %c0_i32_1 = arith.constant 0 : i32
    return %c0_i32, %c0_i32_0 : i32, i32
  }
  func.func @transform_4(%arg0: i32) -> (i32, i32, i32) {
    %c0_i32 = arith.constant 0 : i32
    %c0_i32_0 = arith.constant 0 : i32
    %c0_i32_1 = arith.constant 0 : i32
    return %arg0, %c0_i32, %c0_i32_0 : i32, i32, i32
  }
  func.func @transform_5(%arg0: i32) -> (i32, i32) {
    %c0_i32 = arith.constant 0 : i32
    %c0_i32_0 = arith.constant 0 : i32
    %c0_i32_1 = arith.constant 0 : i32
    return %c0_i32, %c0_i32_0 : i32, i32
  }
}

</mosaic_0001>

<sc_bundles>
// kernel: kernel.4.cloned.1.call-start
scs
__scs_entry_jumppad:
0x0: {  	(pc) =	sbr.rel $0x88, $3  }
0x1: {  	(tag) =	ssettag $0x0;
	lr =	simm.s32 $0x1  }
0x2: {  	[smem:$0x3F9F] =	sst lr;
	_ =	strace $0xD0000000  }
0x3: {  	_ = 	snop  }
0x4: {  	_ = 	snop  }
0x5: {  	_ = 	snop  }
0x6: {  	_ = 	snop  }
0x7: {  	_ = 	snop  }
__scs_overlays_trampoline_lowered:
0x8: {  	[smem:$0x3FAE] =	sst s0  }
0x9: {  	[smem:$0x3FAF] =	sst s1  }
0xa: {  	[smem:$0x3FB0] =	sst s2  }
0xb: {  	[smem:$0x3FB1] =	sst s3  }
0xc: {  	[smem:$0x3FB2] =	sst s4  }
0xd: {  	[smem:$0x3FB3] =	sst s5  }
0xe: {  	[smem:$0x3FB4] =	sst s6  }
0xf: {  	[smem:$0x3FB5] =	sst s7  }
0x10: {  	[smem:$0x3FB6] =	sst s8  }
0x11: {  	[smem:$0x3FB7] =	sst s9;
	s0 =	simm.s32 @!p0 $0x0  }
0x12: {  	s1 =	sld [smem:$0x3F9D];
	s0 =	simm.s32 @p0 $0x1  }
0x13: {  	[smem:$0x3FB8] =	sst s0;
	s0 =	simm.s32 @!p1 $0x0  }
0x14: {  	s2 =	sld [smem:$0x3F9C];
	s0 =	simm.s32 @p1 $0x1  }
0x15: {  	[smem:$0x3FB9] =	sst s0;
	s0 =	simm.s32 @!p2 $0x0  }
0x16: {  	s3 =	sld [smem:$0x3FDB];
	s0 =	simm.s32 @p2 $0x1  }
0x17: {  	s4 =	simm.s32 $0x1BF5;
	[smem:$0x3FBB] =	sst s0  }
0x18: {  	s0 =	sld [smem:$0x3F9E];
	_ =	swait.ge [sflag:s4], $0x0  }
0x19: {  	s7 =	sld [smem:$0x3F9F]  }
0x1a: {  	s8 =	sadd.s32 $0xFFFFE003, lr  }
0x1b: {  	s9 =	sadd.s32 $0xFFFFFEF7, lr;
	s5 =	simm.s32 $0xFFFFFFFF;
	p2 =	slt.u32 s8, $0xFFFFF086  }
0x1c: {  	p1 =	slt.u32 s9, $0xF7A;
	s5 =	simm.s32 @!p2 $0x0  }
0x1d: {  	s5 =	simm.s32 @p1 $0x1;
	p0 =	seq.s32 s7, s2  }
0x1e: {  	s7 =	smul.u32 @!p0 $0xF7A, s2;
	p2 =	seq.s32 @!p0 s5, $0x0  }
0x1f: {  	s9 =	smul.u32 $0xF7A, s1;
	s8 =	simm.s32 @!p0 $0x1BF5;
	p2 =	por !p2, p0  }
0x20: {  	[sflag:s8] =	ssyncset.s32 @!p0 $0xFFFFF086;
	s6 =	sadd.s32 @!p0 s3, s7;
	s7 =	simm.s32 @!p0 $0x108  }
0x21: {  	s3 =	sadd.s32 s3, s9;
	s6 =	sadd.s32 @!p0 $0x88, s6;
	s7 =	simm.s32 @p2 $0x1082  }
0x22: {  	[simem:s7], [sflag:s8] =	dma.local @!p0 [hbm:s6], $0xF7A  }
0x23: {  	s9 =	sor.u32 $0xD0000000, s2;
	s6 =	simm.s32 $0x108;
	_ =	swait.ge @!p0 [sflag:s8], $0x0  }
0x24: {  	s3 =	sadd.s32 $0x88, s3;
	s6 =	simm.s32 @!p1 $0x1082;
	[sflag:s4] =	ssyncset.s32 $0xFFFFF086  }
0x25: {  	[simem:s6], [sflag:s4] =	dma.local [hbm:s3], $0xF7A  }
0x26: {  	[smem:$0x3F9F] =	sst s1;
	(tag) =	ssettag s2;
	_ =	strace s9  }
0x27: {  	s1 =	sld [smem:$0x3FAF]  }
0x28: {  	s2 =	sld [smem:$0x3FB0]  }
0x29: {  	s4 =	sld [smem:$0x3FB2]  }
0x2a: {  	p0 =	seq.s32 s5, $0x0;
	s5 =	sld [smem:$0x3FB3]  }
0x2b: {  	s6 =	sld [smem:$0x3FB4]  }
0x2c: {  	s7 =	sld [smem:$0x3FB5]  }
0x2d: {  	s3 =	simm.s32 $0x108;
	s8 =	sld [smem:$0x3FB6]  }
0x2e: {  	s3 =	simm.s32 @!p0 $0x1082;
	s9 =	sld [smem:$0x3FB7]  }
0x2f: {  	lr =	sadd.s32 s0, s3;
	s0 =	sld [smem:$0x3FAE]  }
0x30: {  	s3 =	sld [smem:$0x3FB1]  }
0x31: {  	[smem:$0x3FBA] =	sst s10  }
0x32: {  	s10 =	sld [smem:$0x3FB8];
	_ =	sdelay $0x3  }
0x33: {  	p0 =	seq.s32 s10, $0x1;
	s10 =	sld [smem:$0x3FBA];
	_ =	sdelay $0x3  }
0x34: {  	[smem:$0x3FBA] =	sst s10  }
0x35: {  	s10 =	sld [smem:$0x3FB9];
	_ =	sdelay $0x3  }
0x36: {  	p1 =	seq.s32 s10, $0x1;
	s10 =	sld [smem:$0x3FBA];
	_ =	sdelay $0x3  }
0x37: {  	[smem:$0x3FBA] =	sst s10  }
0x38: {  	s10 =	sld [smem:$0x3FBB]  }
0x39: {  	_ = 	snop;
	(pc) =	sbr.ind lr, $3  }
0x3a: {  	_ = 	snop  }
0x3b: {  	_ = 	snop  }
0x3c: {  	p2 =	seq.s32 s10, $0x1;
	s10 =	sld [smem:$0x3FBA]  }
0x3d: {  	_ =	shalt  }
0x3e: {  	_ =	shalt  }
0x3f: {  	_ =	shalt  }
0x40: {  	_ =	shalt  }
0x41: {  	_ =	shalt  }
0x42: {  	_ =	shalt  }
0x43: {  	_ =	shalt  }
0x44: {  	_ =	shalt  }
0x45: {  	_ =	shalt  }
0x46: {  	_ =	shalt  }
0x47: {  	_ =	shalt  }
0x48: {  	_ =	shalt  }
0x49: {  	_ =	shalt  }
0x4a: {  	_ =	shalt  }
0x4b: {  	_ =	shalt  }
0x4c: {  	_ =	shalt  }
0x4d: {  	_ =	shalt  }
0x4e: {  	_ =	shalt  }
0x4f: {  	_ =	shalt  }
0x50: {  	_ =	shalt  }
0x51: {  	_ =	shalt  }
0x52: {  	_ =	shalt  }
0x53: {  	_ =	shalt  }
0x54: {  	_ =	shalt  }
0x55: {  	_ =	shalt  }
0x56: {  	_ =	shalt  }
0x57: {  	_ =	shalt  }
0x58: {  	_ =	shalt  }
0x59: {  	_ =	shalt  }
0x5a: {  	_ =	shalt  }
0x5b: {  	_ =	shalt  }
0x5c: {  	_ =	shalt  }
0x5d: {  	_ =	shalt  }
0x5e: {  	_ =	shalt  }
0x5f: {  	_ =	shalt  }
0x60: {  	_ =	shalt  }
0x61: {  	_ =	shalt  }
0x62: {  	_ =	shalt  }
0x63: {  	_ =	shalt  }
0x64: {  	_ =	shalt  }
0x65: {  	_ =	shalt  }
0x66: {  	_ =	shalt  }
0x67: {  	_ =	shalt  }
0x68: {  	_ =	shalt  }
0x69: {  	_ =	shalt  }
0x6a: {  	_ =	shalt  }
0x6b: {  	_ =	shalt  }
0x6c: {  	_ =	shalt  }
0x6d: {  	_ =	shalt  }
0x6e: {  	_ =	shalt  }
0x6f: {  	_ =	shalt  }
0x70: {  	_ =	shalt  }
0x71: {  	_ =	shalt  }
0x72: {  	_ =	shalt  }
0x73: {  	_ =	shalt  }
0x74: {  	_ =	shalt  }
0x75: {  	_ =	shalt  }
0x76: {  	_ =	shalt  }
0x77: {  	_ =	shalt  }
0x78: {  	_ =	shalt  }
0x79: {  	_ =	shalt  }
0x7a: {  	_ =	shalt  }
0x7b: {  	_ =	shalt  }
0x7c: {  	_ =	shalt  }
0x7d: {  	_ =	shalt  }
0x7e: {  	_ =	shalt  }
0x7f: {  	_ =	shalt  }
0x80: {  	_ =	shalt  }
0x81: {  	_ =	shalt  }
0x82: {  	_ =	shalt  }
0x83: {  	_ =	shalt  }
0x84: {  	_ =	shalt  }
0x85: {  	_ =	shalt  }
0x86: {  	_ =	shalt  }
0x87: {  	_ =	shalt  }
.Lfunc_end0:
.L_simem_size_0:
called_computation_lowered:
.L_overlay_start_0:
0x88: {  	s2 =	sld [smem:$0x3FD9]  }
0x89: {  	s3 =	sld [smem:$0x3FFE];
	_ =	sdelay $0x1  }
0x8a: {  	s1 =	srdreg.scid  }
0x8b: {  	s0 =	sand.u32 $0x1, s1  }
0x8c: {  	s14 =	sshll.u32 s0, $0xA;
	s2 =	sadd.s32 s3, s2  }
0x8d: {  	s2 =	sadd.s32 s2, s14  }
0x8e: {  	[smem:$0x3FC6] =	sst s2  }
0x8f: {  	_ = 	snop  }
0x90: {  	s2 =	sld [smem:$0x3FD0];
	_ =	sdelay $0x2  }
0x91: {  	s4 =	simm.s32 $0xA;
	s5 =	simm.s32 $0x10;
	s15 =	sld [smem:$0x3FC8]  }
0x92: {  	[smem:s5], [sflag:s4] =	dma.local [hbm:s2], $0x1  }
0x93: {  	_ =	swait.eq [sflag:s4], $0x1  }
0x94: {  	[sflag:s4] =	ssyncset.done $0x0  }
0x95: {  	[sflag:s4] =	ssyncadd.s32 $0xFFFFFFFF  }
0x96: {  	s16 =	sld [smem:$0x10];
	(tm) =	ssettm $0x1  }
0x97: {  	s17 =	sld [smem:$0x3FFB];
	_ =	sdelay $0x3  }
0x98: {  	_ =	strace s17  }
0x99: {  	s4 =	sld [smem:$0x3FFC];
	_ =	sdelay $0x3  }
0x9a: {  	_ =	strace s4  }
0x9b: {  	s4 =	sld [smem:$0x3FFD];
	_ =	sdelay $0x3  }
0x9c: {  	_ =	strace s4  }
0x9d: {  	_ =	strace $0x8FFFFFFF  }
0x9e: {  	s18 =	sld [smem:$0x3FDB];
	_ =	sdelay $0x1  }
0x9f: {  	s19 =	simm.s32 $_scs_section_size  }
0xa0: {  	s6 =	simm.s32 $_size__tile_overlayer_lowered;
	s7 =	simm.s32 $_tile_overlayer_lowered  }
0xa1: {  	s22 =	simm.s32 $0x1BFF;
	s21 =	sshll.u32 s7, $0x1;
	s4 =	sadd.s32 s19, s18  }
0xa2: {  	s8 =	simm.s32 $0x0;
	s20 =	sshll.u32 s6, $0x1;
	s6 =	sadd.s32 s21, s4  }
0xa3: {  	[timem:s8], [sflag:s22] =	dma.local [hbm:s6], s20  }
0xa4: {  	_ =	swait.ge [sflag:s22], s20  }
0xa5: {  	s5 =	ssub.s32 $0x0, s20;
	[sflag:s22] =	ssyncset.done $0x0  }
0xa6: {  	[sflag:s22] =	ssyncadd.s32 s5;
	_ =	sdelay $0x1  }
0xa7: {  	s23 =	simm.s32 $0x1B8B  }
0xa8: {  	_ =	swait.ge [sflag:s23], $0x1  }
0xa9: {  	[sflag:s23] =	ssyncset.done $0x0  }
0xaa: {  	s25 =	simm.s32 $0x1B8E;
	s24 =	sld [smem:$0x3FFE];
	[sflag:s23] =	ssyncadd.s32 $0xFFFFFFFF  }
0xab: {  	s26 =	simm.s32 $execute0_lowered;
	[smem:$0x3FD2] =	sst s25  }
0xac: {  	s6 =	sshll.u32 s26, $0x1;
	_ =	strace $0x80000046;
	[dreg:$0x1] =	wrdreg $0xFFFFFFFF  }
0xad: {  	s28 =	simm.s32 $_size_execute0_lowered;
	s4 =	sadd.s32 s4, s6;
	[dreg:$0x0] =	wrdreg $0x0  }
0xae: {  	s6 =	sshll.u32 s28, $0x1;
	[dreg:$0x2] =	wrdreg s4  }
0xaf: {  	[dreg:$0x3] =	wrdreg s6  }
0xb0: {  	[dreg:$0x4] =	wrdreg $0xC0  }
0xb1: {  	_ =	task [dreg:s8], $0x5FFFF  }
0xb2: {  	[dreg:$0x1] =	wrdreg $0xFFFFFFFF  }
0xb3: {  	[dreg:$0x0] =	wrdreg $0x60  }
0xb4: {  	[dreg:$0x2] =	wrdreg s15  }
0xb5: {  	[dreg:$0x3] =	wrdreg s16  }
0xb6: {  	[dreg:$0x4] =	wrdreg s24  }
0xb7: {  	[dreg:$0x5] =	wrdreg $0x9  }
0xb8: {  	_ =	task.clear_ibuf [dreg:s8], $0x6FFFF;
	_ =	strace $0x90000046  }
0xb9: {  	s29 =	simm.s32 $0x9;
	_ =	strace $0x80000048  }
0xba: {  	_ =	swait.ge [sflag:s29], $0x1  }
0xbb: {  	[sflag:s29] =	ssyncadd.s32 $0xFFFFFFFF  }
0xbc: {  	_ =	strace $0x90000048  }
0xbd: {  	_ =	sfence  }
0xbe: {  	s30 =	sld [smem:$0x0];
	_ =	sdelay $0x2  }
0xbf: {  	s31 =	sshll.u32 s1, $0xD;
	s1 =	sshrl.u32 s1, $0x2  }
0xc0: {  	s3 =	sand.u32 $0x4000, s31;
	s1 =	sadd.s32 s1, s30  }
0xc1: {  	s0 =	sor.u32 s3, s0;
	s1 =	sshll.u32 s1, $0x11  }
0xc2: {  	s0 =	sor.u32 s1, s0  }
0xc3: {  	s0 =	sadd.s32 $0x8F2B, s0  }
0xc4: {  	[sflag:s0] =	ssyncadd.remote.s32 $0x1  }
0xc5: {  	_ =	sfence.sel $0xFFFF  }
0xc6: {  	[dreg:$0x0] =	wrdreg $0xFFFFFFFF;
	(pc) =	sbr.abs _section_cstart, $3  }
0xc7: {  	[dreg:$0x1] =	wrdreg $0xFFFFFFFF  }
0xc8: {  	_ =	task.clear_ibuf [dreg:s8], $0x2FFFF;
	_ =	strace $0x9FFFFFFF  }
0xc9: {  	(tm) =	ssettm $0x7FFFFFFF  }
tec
execute0_lowered:
.L_overlay_start_1:
0x0: {  	(tag) =	ssettag $0x1  }
0x1: {  	s1 =	rddreg [dreg:$0x0]  }
0x2: {  	s0 =	srdreg.scid;
	s2 =	rddreg [dreg:$0x1]  }
0x3: {  	s3 =	stileid.u32;
	s4 =	rddreg [dreg:$0x2];
	s11 =	simm.s32 $0x1  }
0x4: {  	s17 =	simm.s32 $0x2;
	s19 =	simm.s32 $0xA80;
	s20 =	simm.s32 $0x1280  }
0x5: {  	s28 =	simm.s32 $0x4280;
	s29 =	simm.s32 $0x4A80;
	s30 =	simm.s32 $0x5280  }
0x6: {  	s31 =	simm.s32 $0x5A80;
	s8 =	simm.s32 $0x7A80;
	s9 =	simm.s32 $0x8280  }
0x7: {  	s10 =	simm.s32 $0x8A80;
	s0 =	sand.u32 $0x1, s0;
	s3 =	sshll.u32 s3, $0x1  }
0x8: {  	s13 =	simm.s32 $0xAA80;
	s14 =	simm.s32 $0xB280;
	s5 =	sor.u32 s0, s3  }
0x9: {  	s15 =	simm.s32 $0xBA80;
	s4 =	sadd.s32 $0x1200, s4;
	s6 =	smul.u32 $0x48, s5  }
0xa: {  	s3 =	simm.s32 $0x0;
	s0 =	ssub.s32 $0x2, s0;
	s7 =	smul.u32 $0x24000, s5  }
0xb: {  	[smem:$0x7FF] =	sst s3;
	s5 =	smul.u32 $0x4800, s5;
	s24 =	sshrl.u32 s0, $0x1  }
0xc: {  	_ =	strace $0x80000047;
	s0 =	ssub.s32 s0, s24;
	s24 =	simm.s32 $0xC280  }
0xd: {  	s2 =	sadd.s32 s2, s6;
	s21 =	sshrl.u32 s7, $0x3;
	s22 =	sadd.s32 s4, s5  }
0xe: {  	s5 =	simm.s32 $0x3;
	[dreg:$0x4] =	wrdreg s2;
	s4 =	sadd.s32 s4, s21  }
0xf: {  	s6 =	simm.s32 $0x6A80;
	[dreg:$0x5] =	wrdreg s22;
	s23 =	sadd.s32 $0x1200, s4  }
0x10: {  	s7 =	simm.s32 $0x7280;
	s25 =	sadd.s32 $0x2400, s4;
	[dreg:$0x6] =	wrdreg s23  }
0x11: {  	v2 =	vlaneseq.u32;
	s21 =	simm.s32 $0x1A80;
	s26 =	sadd.s32 $0x3600, s4;
	[dreg:$0x7] =	wrdreg s25  }
0x12: {  	vm0 =	vmmov $0xffff;
	v1 =	vshrl.u32 v2, $0x3;
	s22 =	simm.s32 $0x2280;
	s4 =	smax.u32 s0, $0x1;
	[dreg:$0x8] =	wrdreg s26  }
0x13: {  	v0 =	vand.u32 $0x7, v2;
	v2 =	vor.u32 $0x8, v2;
	v1 =	vmul.u32 $0x8, v1;
	s23 =	simm.s32 $0x2A80;
	s25 =	simm.s32 $0x3280;
	s26 =	simm.s32 $0x3A80  }
.LBB2_1:
0x14: {  	s18 =	rddreg [dreg:$0x4]  }
0x15: {  	[tilespmem:s3], [sflag:$0x3] =	stream.linear.gather [hbm4b:s18+s3], $0x240, $0x38;
	[tilespmem:$0x12280] =	vst v63  }
0x16: {  	_ =	swait.ge [sflag:s5], $0x240  }
0x17: {  	[sflag:s5] =	ssyncset.done $0x0  }
0x18: {  	[sflag:s5] =	ssyncadd.s32 $0xFFFFFDC0  }
0x19: {  	v3 =	vld [tilespmem:$0x0];
	_ =	sdelay $0x4  }
0x1a: {  	v4 =	vshll.u32 v3, $0x1  }
0x1b: {  	v3 =	vand.u32 $0x7, v3;
	v4 =	vand.u32 $0xFFFFFFF0, v4  }
0x1c: {  	v3 =	vor.u32 v3, v4  }
0x1d: {  	v4 =	vperm.xlane v3, v0;
	_ =	sdelay $0x1  }
0x1e: {  	v3 =	vperm.xlane v3, v2;
	v4 =	vadd.s32 v1, v4;
	_ =	sdelay $0x1  }
0x1f: {  	v3 =	vadd.s32 v1, v3;
	_ =	sdelay $0x1  }
0x20: {  	s0 =	simm.s32 $0x280  }
0x21: {  	[tilespmem:s0], [sflag:$0x1] =	stream.indirect_vreg.gather [hbm4b:s1+s3], $0x80, v4, vm0, $0xb8;
	[tilespmem:$0x12280] =	vst v63  }
0x22: {  	_ = 	snop  }
0x23: {  	[tilespmem:s19], [sflag:$0x1] =	stream.indirect_vreg.gather [hbm4b:s1+s3], $0x80, v3, vm0, $0xb8;
	[tilespmem:$0x12280] =	vst v63  }
0x24: {  	v3 =	vld [tilespmem:$0x10];
	_ =	sdelay $0x4  }
0x25: {  	v29 =	vshll.u32 v3, $0x1  }
0x26: {  	v3 =	vand.u32 $0x7, v3;
	v4 =	vand.u32 $0xFFFFFFF0, v29  }
0x27: {  	v3 =	vor.u32 v3, v4  }
0x28: {  	v4 =	vperm.xlane v3, v0;
	_ =	sdelay $0x1  }
0x29: {  	v3 =	vperm.xlane v3, v2;
	v4 =	vadd.s32 v1, v4;
	_ =	sdelay $0x1  }
0x2a: {  	v3 =	vadd.s32 v1, v3;
	_ =	sdelay $0x2  }
0x2b: {  	[tilespmem:s20], [sflag:$0x1] =	stream.indirect_vreg.gather [hbm4b:s1+s3], $0x80, v4, vm0, $0xb8;
	[tilespmem:$0x12280] =	vst v63  }
0x2c: {  	_ = 	snop  }
0x2d: {  	[tilespmem:s21], [sflag:$0x1] =	stream.indirect_vreg.gather [hbm4b:s1+s3], $0x80, v3, vm0, $0xb8;
	[tilespmem:$0x12280] =	vst v63  }
0x2e: {  	v3 =	vld [tilespmem:$0x20];
	_ =	sdelay $0x4  }
0x2f: {  	v30 =	vshll.u32 v3, $0x1  }
0x30: {  	v3 =	vand.u32 $0x7, v3;
	v4 =	vand.u32 $0xFFFFFFF0, v30  }
0x31: {  	v3 =	vor.u32 v3, v4  }
0x32: {  	v4 =	vperm.xlane v3, v0;
	_ =	sdelay $0x1  }
0x33: {  	v3 =	vperm.xlane v3, v2;
	v4 =	vadd.s32 v1, v4;
	_ =	sdelay $0x1  }
0x34: {  	v3 =	vadd.s32 v1, v3;
	_ =	sdelay $0x2  }
0x35: {  	[tilespmem:s22], [sflag:$0x1] =	stream.indirect_vreg.gather [hbm4b:s1+s3], $0x80, v4, vm0, $0xb8;
	[tilespmem:$0x12280] =	vst v63  }
0x36: {  	_ = 	snop  }
0x37: {  	[tilespmem:s23], [sflag:$0x1] =	stream.indirect_vreg.gather [hbm4b:s1+s3], $0x80, v3, vm0, $0xb8;
	[tilespmem:$0x12280] =	vst v63  }
0x38: {  	v3 =	vld [tilespmem:$0x30];
	_ =	sdelay $0x4  }
0x39: {  	v31 =	vshll.u32 v3, $0x1  }
0x3a: {  	v3 =	vand.u32 $0x7, v3;
	v4 =	vand.u32 $0xFFFFFFF0, v31  }
0x3b: {  	v3 =	vor.u32 v3, v4  }
0x3c: {  	v4 =	vperm.xlane v3, v0;
	_ =	sdelay $0x1  }
0x3d: {  	v3 =	vperm.xlane v3, v2;
	v4 =	vadd.s32 v1, v4;
	_ =	sdelay $0x1  }
0x3e: {  	v3 =	vadd.s32 v1, v3;
	_ =	sdelay $0x2  }
0x3f: {  	[tilespmem:s25], [sflag:$0x1] =	stream.indirect_vreg.gather [hbm4b:s1+s3], $0x80, v4, vm0, $0xb8;
	[tilespmem:$0x12280] =	vst v63  }
0x40: {  	_ = 	snop  }
0x41: {  	[tilespmem:s26], [sflag:$0x1] =	stream.indirect_vreg.gather [hbm4b:s1+s3], $0x80, v3, vm0, $0xb8;
	[tilespmem:$0x12280] =	vst v63  }
0x42: {  	v3 =	vld [tilespmem:$0x40];
	_ =	sdelay $0x4  }
0x43: {  	v32 =	vshll.u32 v3, $0x1  }
0x44: {  	v3 =	vand.u32 $0x7, v3;
	v4 =	vand.u32 $0xFFFFFFF0, v32  }
0x45: {  	v3 =	vor.u32 v3, v4  }
0x46: {  	v4 =	vperm.xlane v3, v0;
	_ =	sdelay $0x1  }
0x47: {  	v3 =	vperm.xlane v3, v2;
	v4 =	vadd.s32 v1, v4;
	_ =	sdelay $0x1  }
0x48: {  	v3 =	vadd.s32 v1, v3;
	_ =	sdelay $0x2  }
0x49: {  	[tilespmem:s28], [sflag:$0x1] =	stream.indirect_vreg.gather [hbm4b:s1+s3], $0x80, v4, vm0, $0xb8;
	[tilespmem:$0x12280] =	vst v63  }
0x4a: {  	_ = 	snop  }
0x4b: {  	[tilespmem:s29], [sflag:$0x1] =	stream.indirect_vreg.gather [hbm4b:s1+s3], $0x80, v3, vm0, $0xb8;
	[tilespmem:$0x12280] =	vst v63  }
0x4c: {  	v3 =	vld [tilespmem:$0x50];
	_ =	sdelay $0x4  }
0x4d: {  	v33 =	vshll.u32 v3, $0x1  }
0x4e: {  	v3 =	vand.u32 $0x7, v3;
	v4 =	vand.u32 $0xFFFFFFF0, v33  }
0x4f: {  	v3 =	vor.u32 v3, v4  }
0x50: {  	v4 =	vperm.xlane v3, v0;
	_ =	sdelay $0x1  }
0x51: {  	v3 =	vperm.xlane v3, v2;
	v4 =	vadd.s32 v1, v4;
	_ =	sdelay $0x1  }
0x52: {  	v3 =	vadd.s32 v1, v3;
	_ =	sdelay $0x2  }
0x53: {  	[tilespmem:s30], [sflag:$0x1] =	stream.indirect_vreg.gather [hbm4b:s1+s3], $0x80, v4, vm0, $0xb8;
	[tilespmem:$0x12280] =	vst v63  }
0x54: {  	_ = 	snop  }
0x55: {  	[tilespmem:s31], [sflag:$0x1] =	stream.indirect_vreg.gather [hbm4b:s1+s3], $0x80, v3, vm0, $0xb8;
	[tilespmem:$0x12280] =	vst v63  }
0x56: {  	v3 =	vld [tilespmem:$0x60];
	_ =	sdelay $0x4  }
0x57: {  	v34 =	vshll.u32 v3, $0x1  }
0x58: {  	v3 =	vand.u32 $0x7, v3;
	v4 =	vand.u32 $0xFFFFFFF0, v34  }
0x59: {  	v3 =	vor.u32 v3, v4  }
0x5a: {  	v4 =	vperm.xlane v3, v0;
	_ =	sdelay $0x1  }
0x5b: {  	v3 =	vperm.xlane v3, v2;
	v4 =	vadd.s32 v1, v4;
	_ =	sdelay $0x1  }
0x5c: {  	v3 =	vadd.s32 v1, v3;
	_ =	sdelay $0x1  }
0x5d: {  	s2 =	simm.s32 $0x6280  }
0x5e: {  	[tilespmem:s2], [sflag:$0x1] =	stream.indirect_vreg.gather [hbm4b:s1+s3], $0x80, v4, vm0, $0xb8;
	[tilespmem:$0x12280] =	vst v63  }
0x5f: {  	_ = 	snop  }
0x60: {  	[tilespmem:s6], [sflag:$0x1] =	stream.indirect_vreg.gather [hbm4b:s1+s3], $0x80, v3, vm0, $0xb8;
	[tilespmem:$0x12280] =	vst v63  }
0x61: {  	v3 =	vld [tilespmem:$0x70];
	_ =	sdelay $0x4  }
0x62: {  	v35 =	vshll.u32 v3, $0x1  }
0x63: {  	v3 =	vand.u32 $0x7, v3;
	v4 =	vand.u32 $0xFFFFFFF0, v35  }
0x64: {  	v3 =	vor.u32 v3, v4  }
0x65: {  	v4 =	vperm.xlane v3, v0;
	_ =	sdelay $0x1  }
0x66: {  	v3 =	vperm.xlane v3, v2;
	v4 =	vadd.s32 v1, v4;
	_ =	sdelay $0x1  }
0x67: {  	v3 =	vadd.s32 v1, v3;
	_ =	sdelay $0x2  }
0x68: {  	[tilespmem:s7], [sflag:$0x1] =	stream.indirect_vreg.gather [hbm4b:s1+s3], $0x80, v4, vm0, $0xb8;
	[tilespmem:$0x12280] =	vst v63  }
0x69: {  	_ = 	snop  }
0x6a: {  	[tilespmem:s8], [sflag:$0x1] =	stream.indirect_vreg.gather [hbm4b:s1+s3], $0x80, v3, vm0, $0xb8;
	[tilespmem:$0x12280] =	vst v63  }
0x6b: {  	v3 =	vld [tilespmem:$0x80];
	_ =	sdelay $0x4  }
0x6c: {  	v36 =	vshll.u32 v3, $0x1  }
0x6d: {  	v3 =	vand.u32 $0x7, v3;
	v4 =	vand.u32 $0xFFFFFFF0, v36  }
0x6e: {  	v3 =	vor.u32 v3, v4  }
0x6f: {  	v4 =	vperm.xlane v3, v0;
	_ =	sdelay $0x1  }
0x70: {  	v3 =	vperm.xlane v3, v2;
	v4 =	vadd.s32 v1, v4;
	_ =	sdelay $0x1  }
0x71: {  	v3 =	vadd.s32 v1, v3;
	_ =	sdelay $0x2  }
0x72: {  	[tilespmem:s9], [sflag:$0x1] =	stream.indirect_vreg.gather [hbm4b:s1+s3], $0x80, v4, vm0, $0xb8;
	[tilespmem:$0x12280] =	vst v63  }
0x73: {  	_ = 	snop  }
0x74: {  	[tilespmem:s10], [sflag:$0x1] =	stream.indirect_vreg.gather [hbm4b:s1+s3], $0x80, v3, vm0, $0xb8;
	[tilespmem:$0x12280] =	vst v63  }
0x75: {  	v3 =	vld [tilespmem:$0x90];
	_ =	sdelay $0x4  }
0x76: {  	v37 =	vshll.u32 v3, $0x1  }
0x77: {  	v3 =	vand.u32 $0x7, v3;
	v4 =	vand.u32 $0xFFFFFFF0, v37  }
0x78: {  	v3 =	vor.u32 v3, v4  }
0x79: {  	v4 =	vperm.xlane v3, v0;
	_ =	sdelay $0x1  }
0x7a: {  	v3 =	vperm.xlane v3, v2;
	v4 =	vadd.s32 v1, v4;
	_ =	sdelay $0x1  }
0x7b: {  	v3 =	vadd.s32 v1, v3;
	_ =	sdelay $0x1  }
0x7c: {  	s0 =	simm.s32 $0x9280  }
0x7d: {  	[tilespmem:s0], [sflag:$0x2] =	stream.indirect_vreg.gather [hbm4b:s1+s3], $0x80, v4, vm0, $0xb8;
	[tilespmem:$0x12280] =	vst v63  }
0x7e: {  	s12 =	simm.s32 $0x9A80  }
0x7f: {  	[tilespmem:s12], [sflag:$0x2] =	stream.indirect_vreg.gather [hbm4b:s1+s3], $0x80, v3, vm0, $0xb8;
	[tilespmem:$0x12280] =	vst v63  }
0x80: {  	v3 =	vld [tilespmem:$0xA0];
	_ =	sdelay $0x4  }
0x81: {  	v38 =	vshll.u32 v3, $0x1  }
0x82: {  	v3 =	vand.u32 $0x7, v3;
	v4 =	vand.u32 $0xFFFFFFF0, v38  }
0x83: {  	v3 =	vor.u32 v3, v4  }
0x84: {  	v4 =	vperm.xlane v3, v0;
	_ =	sdelay $0x1  }
0x85: {  	v3 =	vperm.xlane v3, v2;
	v4 =	vadd.s32 v1, v4;
	_ =	sdelay $0x1  }
0x86: {  	v3 =	vadd.s32 v1, v3;
	_ =	sdelay $0x1  }
0x87: {  	s12 =	simm.s32 $0xA280  }
0x88: {  	[tilespmem:s12], [sflag:$0x2] =	stream.indirect_vreg.gather [hbm4b:s1+s3], $0x80, v4, vm0, $0xb8;
	[tilespmem:$0x12280] =	vst v63  }
0x89: {  	_ = 	snop  }
0x8a: {  	[tilespmem:s13], [sflag:$0x2] =	stream.indirect_vreg.gather [hbm4b:s1+s3], $0x80, v3, vm0, $0xb8;
	[tilespmem:$0x12280] =	vst v63  }
0x8b: {  	v3 =	vld [tilespmem:$0xB0];
	_ =	sdelay $0x4  }
0x8c: {  	v39 =	vshll.u32 v3, $0x1  }
0x8d: {  	v3 =	vand.u32 $0x7, v3;
	v4 =	vand.u32 $0xFFFFFFF0, v39  }
0x8e: {  	v3 =	vor.u32 v3, v4  }
0x8f: {  	v4 =	vperm.xlane v3, v0;
	_ =	sdelay $0x1  }
0x90: {  	v3 =	vperm.xlane v3, v2;
	v4 =	vadd.s32 v1, v4;
	_ =	sdelay $0x1  }
0x91: {  	v3 =	vadd.s32 v1, v3;
	_ =	sdelay $0x2  }
0x92: {  	[tilespmem:s14], [sflag:$0x2] =	stream.indirect_vreg.gather [hbm4b:s1+s3], $0x80, v4, vm0, $0xb8;
	[tilespmem:$0x12280] =	vst v63  }
0x93: {  	_ = 	snop  }
0x94: {  	[tilespmem:s15], [sflag:$0x2] =	stream.indirect_vreg.gather [hbm4b:s1+s3], $0x80, v3, vm0, $0xb8;
	[tilespmem:$0x12280] =	vst v63  }
0x95: {  	v3 =	vld [tilespmem:$0xC0];
	_ =	sdelay $0x4  }
0x96: {  	v40 =	vshll.u32 v3, $0x1  }
0x97: {  	v3 =	vand.u32 $0x7, v3;
	v4 =	vand.u32 $0xFFFFFFF0, v40  }
0x98: {  	v3 =	vor.u32 v3, v4  }
0x99: {  	v4 =	vperm.xlane v3, v0;
	_ =	sdelay $0x1  }
0x9a: {  	v3 =	vperm.xlane v3, v2;
	v4 =	vadd.s32 v1, v4;
	_ =	sdelay $0x1  }
0x9b: {  	v3 =	vadd.s32 v1, v3;
	_ =	sdelay $0x2  }
0x9c: {  	[tilespmem:s24], [sflag:$0x2] =	stream.indirect_vreg.gather [hbm4b:s1+s3], $0x80, v4, vm0, $0xb8;
	[tilespmem:$0x12280] =	vst v63  }
0x9d: {  	s16 =	simm.s32 $0xCA80  }
0x9e: {  	[tilespmem:s16], [sflag:$0x2] =	stream.indirect_vreg.gather [hbm4b:s1+s3], $0x80, v3, vm0, $0xb8;
	[tilespmem:$0x12280] =	vst v63  }
0x9f: {  	v3 =	vld [tilespmem:$0xD0];
	_ =	sdelay $0x4  }
0xa0: {  	v41 =	vshll.u32 v3, $0x1  }
0xa1: {  	v3 =	vand.u32 $0x7, v3;
	v4 =	vand.u32 $0xFFFFFFF0, v41  }
0xa2: {  	v3 =	vor.u32 v3, v4  }
0xa3: {  	v4 =	vperm.xlane v3, v0;
	_ =	sdelay $0x1  }
0xa4: {  	v3 =	vperm.xlane v3, v2;
	v4 =	vadd.s32 v1, v4;
	_ =	sdelay $0x1  }
0xa5: {  	v3 =	vadd.s32 v1, v3;
	_ =	sdelay $0x1  }
0xa6: {  	s18 =	simm.s32 $0xD280  }
0xa7: {  	[tilespmem:s18], [sflag:$0x2] =	stream.indirect_vreg.gather [hbm4b:s1+s3], $0x80, v4, vm0, $0xb8;
	[tilespmem:$0x12280] =	vst v63  }
0xa8: {  	s18 =	simm.s32 $0xDA80  }
0xa9: {  	[tilespmem:s18], [sflag:$0x2] =	stream.indirect_vreg.gather [hbm4b:s1+s3], $0x80, v3, vm0, $0xb8;
	[tilespmem:$0x12280] =	vst v63  }
0xaa: {  	v3 =	vld [tilespmem:$0xE0];
	_ =	sdelay $0x4  }
0xab: {  	v42 =	vshll.u32 v3, $0x1  }
0xac: {  	v3 =	vand.u32 $0x7, v3;
	v4 =	vand.u32 $0xFFFFFFF0, v42  }
0xad: {  	v3 =	vor.u32 v3, v4  }
0xae: {  	v4 =	vperm.xlane v3, v0;
	_ =	sdelay $0x1  }
0xaf: {  	v3 =	vperm.xlane v3, v2;
	v4 =	vadd.s32 v1, v4;
	_ =	sdelay $0x1  }
0xb0: {  	v3 =	vadd.s32 v1, v3;
	_ =	sdelay $0x1  }
0xb1: {  	s18 =	simm.s32 $0xE280  }
0xb2: {  	[tilespmem:s18], [sflag:$0x2] =	stream.indirect_vreg.gather [hbm4b:s1+s3], $0x80, v4, vm0, $0xb8;
	[tilespmem:$0x12280] =	vst v63  }
0xb3: {  	s18 =	simm.s32 $0xEA80  }
0xb4: {  	[tilespmem:s18], [sflag:$0x2] =	stream.indirect_vreg.gather [hbm4b:s1+s3], $0x80, v3, vm0, $0xb8;
	[tilespmem:$0x12280] =	vst v63  }
0xb5: {  	v3 =	vld [tilespmem:$0xF0];
	_ =	sdelay $0x4  }
0xb6: {  	v43 =	vshll.u32 v3, $0x1  }
0xb7: {  	v3 =	vand.u32 $0x7, v3;
	v4 =	vand.u32 $0xFFFFFFF0, v43  }
0xb8: {  	v3 =	vor.u32 v3, v4  }
0xb9: {  	v4 =	vperm.xlane v3, v0;
	_ =	sdelay $0x1  }
0xba: {  	v3 =	vperm.xlane v3, v2;
	v4 =	vadd.s32 v1, v4;
	_ =	sdelay $0x1  }
0xbb: {  	v3 =	vadd.s32 v1, v3;
	_ =	sdelay $0x1  }
0xbc: {  	s18 =	simm.s32 $0xF280  }
0xbd: {  	[tilespmem:s18], [sflag:$0x2] =	stream.indirect_vreg.gather [hbm4b:s1+s3], $0x80, v4, vm0, $0xb8;
	[tilespmem:$0x12280] =	vst v63  }
0xbe: {  	s18 =	simm.s32 $0xFA80  }
0xbf: {  	[tilespmem:s18], [sflag:$0x2] =	stream.indirect_vreg.gather [hbm4b:s1+s3], $0x80, v3, vm0, $0xb8;
	[tilespmem:$0x12280] =	vst v63  }
0xc0: {  	v3 =	vld [tilespmem:$0x100];
	_ =	sdelay $0x4  }
0xc1: {  	v44 =	vshll.u32 v3, $0x1  }
0xc2: {  	v3 =	vand.u32 $0x7, v3;
	v4 =	vand.u32 $0xFFFFFFF0, v44  }
0xc3: {  	v3 =	vor.u32 v3, v4  }
0xc4: {  	v4 =	vperm.xlane v3, v0;
	_ =	sdelay $0x1  }
0xc5: {  	v3 =	vperm.xlane v3, v2;
	v4 =	vadd.s32 v1, v4;
	_ =	sdelay $0x1  }
0xc6: {  	v3 =	vadd.s32 v1, v3;
	_ =	sdelay $0x1  }
0xc7: {  	s18 =	simm.s32 $0x10280  }
0xc8: {  	[tilespmem:s18], [sflag:$0x2] =	stream.indirect_vreg.gather [hbm4b:s1+s3], $0x80, v4, vm0, $0xb8;
	[tilespmem:$0x12280] =	vst v63  }
0xc9: {  	s18 =	simm.s32 $0x10A80  }
0xca: {  	[tilespmem:s18], [sflag:$0x2] =	stream.indirect_vreg.gather [hbm4b:s1+s3], $0x80, v3, vm0, $0xb8;
	[tilespmem:$0x12280] =	vst v63  }
0xcb: {  	v3 =	vld [tilespmem:$0x110];
	_ =	sdelay $0x4  }
0xcc: {  	v45 =	vshll.u32 v3, $0x1  }
0xcd: {  	v3 =	vand.u32 $0x7, v3;
	v4 =	vand.u32 $0xFFFFFFF0, v45  }
0xce: {  	v3 =	vor.u32 v3, v4  }
0xcf: {  	v4 =	vperm.xlane v3, v0;
	_ =	sdelay $0x1  }
0xd0: {  	v3 =	vperm.xlane v3, v2;
	v4 =	vadd.s32 v1, v4;
	_ =	sdelay $0x1  }
0xd1: {  	v3 =	vadd.s32 v1, v3;
	_ =	sdelay $0x1  }
0xd2: {  	s18 =	simm.s32 $0x11280  }
0xd3: {  	[tilespmem:s18], [sflag:$0x2] =	stream.indirect_vreg.gather [hbm4b:s1+s3], $0x80, v4, vm0, $0xb8;
	[tilespmem:$0x12280] =	vst v63  }
0xd4: {  	s18 =	simm.s32 $0x11A80  }
0xd5: {  	[tilespmem:s18], [sflag:$0x2] =	stream.indirect_vreg.gather [hbm4b:s1+s3], $0x80, v3, vm0, $0xb8;
	[tilespmem:$0x12280] =	vst v63  }
0xd6: {  	_ =	swait.ge [sflag:s11], $0x9000  }
0xd7: {  	[sflag:s11] =	ssyncset.done $0x0  }
0xd8: {  	s16 =	simm.s32 $0x280;
	s18 =	rddreg [dreg:$0x5];
	[sflag:s11] =	ssyncadd.s32 $0xFFFF7000  }
0xd9: {  	[hbm4b:s18+s3] =	stream.linear.scatter [tilespmem:s16], [sflag:$0x3], $0x9000, $0x38;
	[tilespmem:$0x12280] =	vst v63  }
0xda: {  	_ =	swait.ge [sflag:s5], $0x9000  }
0xdb: {  	[sflag:s5] =	ssyncset.done $0x0  }
0xdc: {  	[sflag:s5] =	ssyncadd.s32 $0xFFFF7000  }
0xdd: {  	v3 =	vld [tilespmem:$0x120];
	_ =	sdelay $0x4  }
0xde: {  	v46 =	vshll.u32 v3, $0x1  }
0xdf: {  	v3 =	vand.u32 $0x7, v3;
	v4 =	vand.u32 $0xFFFFFFF0, v46  }
0xe0: {  	v3 =	vor.u32 v3, v4  }
0xe1: {  	v4 =	vperm.xlane v3, v0;
	_ =	sdelay $0x1  }
0xe2: {  	v3 =	vperm.xlane v3, v2;
	v4 =	vadd.s32 v1, v4;
	_ =	sdelay $0x1  }
0xe3: {  	v3 =	vadd.s32 v1, v3;
	_ =	sdelay $0x2  }
0xe4: {  	[tilespmem:s16], [sflag:$0x1] =	stream.indirect_vreg.gather [hbm4b:s1+s3], $0x80, v4, vm0, $0xb8;
	[tilespmem:$0x12280] =	vst v63  }
0xe5: {  	_ = 	snop  }
0xe6: {  	[tilespmem:s19], [sflag:$0x1] =	stream.indirect_vreg.gather [hbm4b:s1+s3], $0x80, v3, vm0, $0xb8;
	[tilespmem:$0x12280] =	vst v63  }
0xe7: {  	v3 =	vld [tilespmem:$0x130];
	_ =	sdelay $0x4  }
0xe8: {  	v47 =	vshll.u32 v3, $0x1  }
0xe9: {  	v3 =	vand.u32 $0x7, v3;
	v4 =	vand.u32 $0xFFFFFFF0, v47  }
0xea: {  	v3 =	vor.u32 v3, v4  }
0xeb: {  	v4 =	vperm.xlane v3, v0;
	_ =	sdelay $0x1  }
0xec: {  	v3 =	vperm.xlane v3, v2;
	v4 =	vadd.s32 v1, v4;
	_ =	sdelay $0x1  }
0xed: {  	v3 =	vadd.s32 v1, v3;
	_ =	sdelay $0x2  }
0xee: {  	[tilespmem:s20], [sflag:$0x1] =	stream.indirect_vreg.gather [hbm4b:s1+s3], $0x80, v4, vm0, $0xb8;
	[tilespmem:$0x12280] =	vst v63  }
0xef: {  	_ = 	snop  }
0xf0: {  	[tilespmem:s21], [sflag:$0x1] =	stream.indirect_vreg.gather [hbm4b:s1+s3], $0x80, v3, vm0, $0xb8;
	[tilespmem:$0x12280] =	vst v63  }
0xf1: {  	v3 =	vld [tilespmem:$0x140];
	_ =	sdelay $0x4  }
0xf2: {  	v48 =	vshll.u32 v3, $0x1  }
0xf3: {  	v3 =	vand.u32 $0x7, v3;
	v4 =	vand.u32 $0xFFFFFFF0, v48  }
0xf4: {  	v3 =	vor.u32 v3, v4  }
0xf5: {  	v4 =	vperm.xlane v3, v0;
	_ =	sdelay $0x1  }
0xf6: {  	v3 =	vperm.xlane v3, v2;
	v4 =	vadd.s32 v1, v4;
	_ =	sdelay $0x1  }
0xf7: {  	v3 =	vadd.s32 v1, v3;
	_ =	sdelay $0x2  }
0xf8: {  	[tilespmem:s22], [sflag:$0x1] =	stream.indirect_vreg.gather [hbm4b:s1+s3], $0x80, v4, vm0, $0xb8;
	[tilespmem:$0x12280] =	vst v63  }
0xf9: {  	_ = 	snop  }
0xfa: {  	[tilespmem:s23], [sflag:$0x1] =	stream.indirect_vreg.gather [hbm4b:s1+s3], $0x80, v3, vm0, $0xb8;
	[tilespmem:$0x12280] =	vst v63  }
0xfb: {  	v3 =	vld [tilespmem:$0x150];
	_ =	sdelay $0x4  }
0xfc: {  	v49 =	vshll.u32 v3, $0x1  }
0xfd: {  	v3 =	vand.u32 $0x7, v3;
	v4 =	vand.u32 $0xFFFFFFF0, v49  }
0xfe: {  	v3 =	vor.u32 v3, v4  }
0xff: {  	v4 =	vperm.xlane v3, v0;
	_ =	sdelay $0x1  }
0x100: {  	v3 =	vperm.xlane v3, v2;
	v4 =	vadd.s32 v1, v4;
	_ =	sdelay $0x1  }
0x101: {  	v3 =	vadd.s32 v1, v3;
	_ =	sdelay $0x2  }
0x102: {  	[tilespmem:s25], [sflag:$0x1] =	stream.indirect_vreg.gather [hbm4b:s1+s3], $0x80, v4, vm0, $0xb8;
	[tilespmem:$0x12280] =	vst v63  }
0x103: {  	_ = 	snop  }
0x104: {  	[tilespmem:s26], [sflag:$0x1] =	stream.indirect_vreg.gather [hbm4b:s1+s3], $0x80, v3, vm0, $0xb8;
	[tilespmem:$0x12280] =	vst v63  }
0x105: {  	v3 =	vld [tilespmem:$0x160];
	_ =	sdelay $0x4  }
0x106: {  	v50 =	vshll.u32 v3, $0x1  }
0x107: {  	v3 =	vand.u32 $0x7, v3;
	v4 =	vand.u32 $0xFFFFFFF0, v50  }
0x108: {  	v3 =	vor.u32 v3, v4  }
0x109: {  	v4 =	vperm.xlane v3, v0;
	_ =	sdelay $0x1  }
0x10a: {  	v3 =	vperm.xlane v3, v2;
	v4 =	vadd.s32 v1, v4;
	_ =	sdelay $0x1  }
0x10b: {  	v3 =	vadd.s32 v1, v3;
	_ =	sdelay $0x2  }
0x10c: {  	[tilespmem:s28], [sflag:$0x1] =	stream.indirect_vreg.gather [hbm4b:s1+s3], $0x80, v4, vm0, $0xb8;
	[tilespmem:$0x12280] =	vst v63  }
0x10d: {  	_ = 	snop  }
0x10e: {  	[tilespmem:s29], [sflag:$0x1] =	stream.indirect_vreg.gather [hbm4b:s1+s3], $0x80, v3, vm0, $0xb8;
	[tilespmem:$0x12280] =	vst v63  }
0x10f: {  	v3 =	vld [tilespmem:$0x170];
	_ =	sdelay $0x4  }
0x110: {  	v51 =	vshll.u32 v3, $0x1  }
0x111: {  	v3 =	vand.u32 $0x7, v3;
	v4 =	vand.u32 $0xFFFFFFF0, v51  }
0x112: {  	v3 =	vor.u32 v3, v4  }
0x113: {  	v4 =	vperm.xlane v3, v0;
	_ =	sdelay $0x1  }
0x114: {  	v3 =	vperm.xlane v3, v2;
	v4 =	vadd.s32 v1, v4;
	_ =	sdelay $0x1  }
0x115: {  	v3 =	vadd.s32 v1, v3;
	_ =	sdelay $0x2  }
0x116: {  	[tilespmem:s30], [sflag:$0x1] =	stream.indirect_vreg.gather [hbm4b:s1+s3], $0x80, v4, vm0, $0xb8;
	[tilespmem:$0x12280] =	vst v63  }
0x117: {  	_ = 	snop  }
0x118: {  	[tilespmem:s31], [sflag:$0x1] =	stream.indirect_vreg.gather [hbm4b:s1+s3], $0x80, v3, vm0, $0xb8;
	[tilespmem:$0x12280] =	vst v63  }
0x119: {  	v3 =	vld [tilespmem:$0x180];
	_ =	sdelay $0x4  }
0x11a: {  	v52 =	vshll.u32 v3, $0x1  }
0x11b: {  	v3 =	vand.u32 $0x7, v3;
	v4 =	vand.u32 $0xFFFFFFF0, v52  }
0x11c: {  	v3 =	vor.u32 v3, v4  }
0x11d: {  	v4 =	vperm.xlane v3, v0;
	_ =	sdelay $0x1  }
0x11e: {  	v3 =	vperm.xlane v3, v2;
	v4 =	vadd.s32 v1, v4;
	_ =	sdelay $0x1  }
0x11f: {  	v3 =	vadd.s32 v1, v3;
	_ =	sdelay $0x2  }
0x120: {  	[tilespmem:s2], [sflag:$0x1] =	stream.indirect_vreg.gather [hbm4b:s1+s3], $0x80, v4, vm0, $0xb8;
	[tilespmem:$0x12280] =	vst v63  }
0x121: {  	_ = 	snop  }
0x122: {  	[tilespmem:s6], [sflag:$0x1] =	stream.indirect_vreg.gather [hbm4b:s1+s3], $0x80, v3, vm0, $0xb8;
	[tilespmem:$0x12280] =	vst v63  }
0x123: {  	v3 =	vld [tilespmem:$0x190];
	_ =	sdelay $0x4  }
0x124: {  	v53 =	vshll.u32 v3, $0x1  }
0x125: {  	v3 =	vand.u32 $0x7, v3;
	v4 =	vand.u32 $0xFFFFFFF0, v53  }
0x126: {  	v3 =	vor.u32 v3, v4  }
0x127: {  	v4 =	vperm.xlane v3, v0;
	_ =	sdelay $0x1  }
0x128: {  	v3 =	vperm.xlane v3, v2;
	v4 =	vadd.s32 v1, v4;
	_ =	sdelay $0x1  }
0x129: {  	v3 =	vadd.s32 v1, v3;
	_ =	sdelay $0x2  }
0x12a: {  	[tilespmem:s7], [sflag:$0x1] =	stream.indirect_vreg.gather [hbm4b:s1+s3], $0x80, v4, vm0, $0xb8;
	[tilespmem:$0x12280] =	vst v63  }
0x12b: {  	_ = 	snop  }
0x12c: {  	[tilespmem:s8], [sflag:$0x1] =	stream.indirect_vreg.gather [hbm4b:s1+s3], $0x80, v3, vm0, $0xb8;
	[tilespmem:$0x12280] =	vst v63  }
0x12d: {  	v3 =	vld [tilespmem:$0x1A0];
	_ =	sdelay $0x4  }
0x12e: {  	v54 =	vshll.u32 v3, $0x1  }
0x12f: {  	v3 =	vand.u32 $0x7, v3;
	v4 =	vand.u32 $0xFFFFFFF0, v54  }
0x130: {  	v3 =	vor.u32 v3, v4  }
0x131: {  	v4 =	vperm.xlane v3, v0;
	_ =	sdelay $0x1  }
0x132: {  	v3 =	vperm.xlane v3, v2;
	v4 =	vadd.s32 v1, v4;
	_ =	sdelay $0x1  }
0x133: {  	v3 =	vadd.s32 v1, v3;
	_ =	sdelay $0x2  }
0x134: {  	[tilespmem:s9], [sflag:$0x1] =	stream.indirect_vreg.gather [hbm4b:s1+s3], $0x80, v4, vm0, $0xb8;
	[tilespmem:$0x12280] =	vst v63  }
0x135: {  	_ = 	snop  }
0x136: {  	[tilespmem:s10], [sflag:$0x1] =	stream.indirect_vreg.gather [hbm4b:s1+s3], $0x80, v3, vm0, $0xb8;
	[tilespmem:$0x12280] =	vst v63  }
0x137: {  	_ =	swait.ge [sflag:s17], $0x9000  }
0x138: {  	[sflag:s17] =	ssyncset.done $0x0  }
0x139: {  	s2 =	rddreg [dreg:$0x6];
	[sflag:s17] =	ssyncadd.s32 $0xFFFF7000  }
0x13a: {  	[hbm4b:s2+s3] =	stream.linear.scatter [tilespmem:s0], [sflag:$0x3], $0x9000, $0x38;
	[tilespmem:$0x12280] =	vst v63  }
0x13b: {  	_ =	swait.ge [sflag:s5], $0x9000  }
0x13c: {  	[sflag:s5] =	ssyncset.done $0x0  }
0x13d: {  	[sflag:s5] =	ssyncadd.s32 $0xFFFF7000  }
0x13e: {  	v3 =	vld [tilespmem:$0x1B0];
	_ =	sdelay $0x4  }
0x13f: {  	v55 =	vshll.u32 v3, $0x1  }
0x140: {  	v3 =	vand.u32 $0x7, v3;
	v4 =	vand.u32 $0xFFFFFFF0, v55  }
0x141: {  	v3 =	vor.u32 v3, v4  }
0x142: {  	v4 =	vperm.xlane v3, v0;
	_ =	sdelay $0x1  }
0x143: {  	v3 =	vperm.xlane v3, v2;
	v4 =	vadd.s32 v1, v4;
	_ =	sdelay $0x1  }
0x144: {  	v3 =	vadd.s32 v1, v3;
	_ =	sdelay $0x2  }
0x145: {  	[tilespmem:s0], [sflag:$0x2] =	stream.indirect_vreg.gather [hbm4b:s1+s3], $0x80, v4, vm0, $0xb8;
	[tilespmem:$0x12280] =	vst v63  }
0x146: {  	s18 =	simm.s32 $0x9A80  }
0x147: {  	[tilespmem:s18], [sflag:$0x2] =	stream.indirect_vreg.gather [hbm4b:s1+s3], $0x80, v3, vm0, $0xb8;
	[tilespmem:$0x12280] =	vst v63  }
0x148: {  	v3 =	vld [tilespmem:$0x1C0];
	_ =	sdelay $0x4  }
0x149: {  	v56 =	vshll.u32 v3, $0x1  }
0x14a: {  	v3 =	vand.u32 $0x7, v3;
	v4 =	vand.u32 $0xFFFFFFF0, v56  }
0x14b: {  	v3 =	vor.u32 v3, v4  }
0x14c: {  	v4 =	vperm.xlane v3, v0;
	_ =	sdelay $0x1  }
0x14d: {  	v3 =	vperm.xlane v3, v2;
	v4 =	vadd.s32 v1, v4;
	_ =	sdelay $0x1  }
0x14e: {  	v3 =	vadd.s32 v1, v3;
	_ =	sdelay $0x2  }
0x14f: {  	[tilespmem:s12], [sflag:$0x2] =	stream.indirect_vreg.gather [hbm4b:s1+s3], $0x80, v4, vm0, $0xb8;
	[tilespmem:$0x12280] =	vst v63  }
0x150: {  	_ = 	snop  }
0x151: {  	[tilespmem:s13], [sflag:$0x2] =	stream.indirect_vreg.gather [hbm4b:s1+s3], $0x80, v3, vm0, $0xb8;
	[tilespmem:$0x12280] =	vst v63  }
0x152: {  	v3 =	vld [tilespmem:$0x1D0];
	_ =	sdelay $0x4  }
0x153: {  	v57 =	vshll.u32 v3, $0x1  }
0x154: {  	v3 =	vand.u32 $0x7, v3;
	v4 =	vand.u32 $0xFFFFFFF0, v57  }
0x155: {  	v3 =	vor.u32 v3, v4  }
0x156: {  	v4 =	vperm.xlane v3, v0;
	_ =	sdelay $0x1  }
0x157: {  	v3 =	vperm.xlane v3, v2;
	v4 =	vadd.s32 v1, v4;
	_ =	sdelay $0x1  }
0x158: {  	v3 =	vadd.s32 v1, v3;
	_ =	sdelay $0x2  }
0x159: {  	[tilespmem:s14], [sflag:$0x2] =	stream.indirect_vreg.gather [hbm4b:s1+s3], $0x80, v4, vm0, $0xb8;
	[tilespmem:$0x12280] =	vst v63  }
0x15a: {  	_ = 	snop  }
0x15b: {  	[tilespmem:s15], [sflag:$0x2] =	stream.indirect_vreg.gather [hbm4b:s1+s3], $0x80, v3, vm0, $0xb8;
	[tilespmem:$0x12280] =	vst v63  }
0x15c: {  	v3 =	vld [tilespmem:$0x1E0];
	_ =	sdelay $0x4  }
0x15d: {  	v58 =	vshll.u32 v3, $0x1  }
0x15e: {  	v3 =	vand.u32 $0x7, v3;
	v4 =	vand.u32 $0xFFFFFFF0, v58  }
0x15f: {  	v3 =	vor.u32 v3, v4  }
0x160: {  	v4 =	vperm.xlane v3, v0;
	_ =	sdelay $0x1  }
0x161: {  	v3 =	vperm.xlane v3, v2;
	v4 =	vadd.s32 v1, v4;
	_ =	sdelay $0x1  }
0x162: {  	v3 =	vadd.s32 v1, v3;
	_ =	sdelay $0x2  }
0x163: {  	[tilespmem:s24], [sflag:$0x2] =	stream.indirect_vreg.gather [hbm4b:s1+s3], $0x80, v4, vm0, $0xb8;
	[tilespmem:$0x12280] =	vst v63  }
0x164: {  	s18 =	simm.s32 $0xCA80  }
0x165: {  	[tilespmem:s18], [sflag:$0x2] =	stream.indirect_vreg.gather [hbm4b:s1+s3], $0x80, v3, vm0, $0xb8;
	[tilespmem:$0x12280] =	vst v63  }
0x166: {  	v3 =	vld [tilespmem:$0x1F0];
	_ =	sdelay $0x4  }
0x167: {  	v59 =	vshll.u32 v3, $0x1  }
0x168: {  	v3 =	vand.u32 $0x7, v3;
	v4 =	vand.u32 $0xFFFFFFF0, v59  }
0x169: {  	v3 =	vor.u32 v3, v4  }
0x16a: {  	v4 =	vperm.xlane v3, v0;
	_ =	sdelay $0x1  }
0x16b: {  	v3 =	vperm.xlane v3, v2;
	v4 =	vadd.s32 v1, v4;
	_ =	sdelay $0x1  }
0x16c: {  	v3 =	vadd.s32 v1, v3;
	_ =	sdelay $0x1  }
0x16d: {  	s12 =	simm.s32 $0xD280  }
0x16e: {  	[tilespmem:s12], [sflag:$0x2] =	stream.indirect_vreg.gather [hbm4b:s1+s3], $0x80, v4, vm0, $0xb8;
	[tilespmem:$0x12280] =	vst v63  }
0x16f: {  	s18 =	simm.s32 $0xDA80  }
0x170: {  	[tilespmem:s18], [sflag:$0x2] =	stream.indirect_vreg.gather [hbm4b:s1+s3], $0x80, v3, vm0, $0xb8;
	[tilespmem:$0x12280] =	vst v63  }
0x171: {  	v3 =	vld [tilespmem:$0x200];
	_ =	sdelay $0x4  }
0x172: {  	v60 =	vshll.u32 v3, $0x1  }
0x173: {  	v3 =	vand.u32 $0x7, v3;
	v4 =	vand.u32 $0xFFFFFFF0, v60  }
0x174: {  	v3 =	vor.u32 v3, v4  }
0x175: {  	v4 =	vperm.xlane v3, v0;
	_ =	sdelay $0x1  }
0x176: {  	v3 =	vperm.xlane v3, v2;
	v4 =	vadd.s32 v1, v4;
	_ =	sdelay $0x1  }
0x177: {  	v3 =	vadd.s32 v1, v3;
	_ =	sdelay $0x1  }
0x178: {  	s12 =	simm.s32 $0xE280  }
0x179: {  	[tilespmem:s12], [sflag:$0x2] =	stream.indirect_vreg.gather [hbm4b:s1+s3], $0x80, v4, vm0, $0xb8;
	[tilespmem:$0x12280] =	vst v63  }
0x17a: {  	s18 =	simm.s32 $0xEA80  }
0x17b: {  	[tilespmem:s18], [sflag:$0x2] =	stream.indirect_vreg.gather [hbm4b:s1+s3], $0x80, v3, vm0, $0xb8;
	[tilespmem:$0x12280] =	vst v63  }
0x17c: {  	v3 =	vld [tilespmem:$0x210];
	_ =	sdelay $0x4  }
0x17d: {  	v61 =	vshll.u32 v3, $0x1  }
0x17e: {  	v3 =	vand.u32 $0x7, v3;
	v4 =	vand.u32 $0xFFFFFFF0, v61  }
0x17f: {  	v3 =	vor.u32 v3, v4  }
0x180: {  	v4 =	vperm.xlane v3, v0;
	_ =	sdelay $0x1  }
0x181: {  	v3 =	vperm.xlane v3, v2;
	v4 =	vadd.s32 v1, v4;
	_ =	sdelay $0x1  }
0x182: {  	v3 =	vadd.s32 v1, v3;
	_ =	sdelay $0x1  }
0x183: {  	s12 =	simm.s32 $0xF280  }
0x184: {  	[tilespmem:s12], [sflag:$0x2] =	stream.indirect_vreg.gather [hbm4b:s1+s3], $0x80, v4, vm0, $0xb8;
	[tilespmem:$0x12280] =	vst v63  }
0x185: {  	s18 =	simm.s32 $0xFA80  }
0x186: {  	[tilespmem:s18], [sflag:$0x2] =	stream.indirect_vreg.gather [hbm4b:s1+s3], $0x80, v3, vm0, $0xb8;
	[tilespmem:$0x12280] =	vst v63  }
0x187: {  	v3 =	vld [tilespmem:$0x220];
	_ =	sdelay $0x4  }
0x188: {  	v62 =	vshll.u32 v3, $0x1  }
0x189: {  	v3 =	vand.u32 $0x7, v3;
	v4 =	vand.u32 $0xFFFFFFF0, v62  }
0x18a: {  	v3 =	vor.u32 v3, v4  }
0x18b: {  	v4 =	vperm.xlane v3, v0;
	_ =	sdelay $0x1  }
0x18c: {  	v3 =	vperm.xlane v3, v2;
	v4 =	vadd.s32 v1, v4;
	_ =	sdelay $0x1  }
0x18d: {  	v3 =	vadd.s32 v1, v3;
	_ =	sdelay $0x1  }
0x18e: {  	s12 =	simm.s32 $0x10280  }
0x18f: {  	[tilespmem:s12], [sflag:$0x2] =	stream.indirect_vreg.gather [hbm4b:s1+s3], $0x80, v4, vm0, $0xb8;
	[tilespmem:$0x12280] =	vst v63  }
0x190: {  	s18 =	simm.s32 $0x10A80  }
0x191: {  	[tilespmem:s18], [sflag:$0x2] =	stream.indirect_vreg.gather [hbm4b:s1+s3], $0x80, v3, vm0, $0xb8;
	[tilespmem:$0x12280] =	vst v63  }
0x192: {  	v3 =	vld [tilespmem:$0x230];
	_ =	sdelay $0x4  }
0x193: {  	v63 =	vshll.u32 v3, $0x1  }
0x194: {  	v3 =	vand.u32 $0x7, v3;
	v4 =	vand.u32 $0xFFFFFFF0, v63  }
0x195: {  	v3 =	vor.u32 v3, v4  }
0x196: {  	v4 =	vperm.xlane v3, v0;
	_ =	sdelay $0x1  }
0x197: {  	v3 =	vperm.xlane v3, v2;
	v4 =	vadd.s32 v1, v4;
	_ =	sdelay $0x1  }
0x198: {  	v3 =	vadd.s32 v1, v3;
	_ =	sdelay $0x1  }
0x199: {  	s12 =	simm.s32 $0x11280  }
0x19a: {  	[tilespmem:s12], [sflag:$0x2] =	stream.indirect_vreg.gather [hbm4b:s1+s3], $0x80, v4, vm0, $0xb8;
	[tilespmem:$0x12280] =	vst v63  }
0x19b: {  	s18 =	simm.s32 $0x11A80  }
0x19c: {  	[tilespmem:s18], [sflag:$0x2] =	stream.indirect_vreg.gather [hbm4b:s1+s3], $0x80, v3, vm0, $0xb8;
	[tilespmem:$0x12280] =	vst v63  }
0x19d: {  	_ =	swait.ge [sflag:s11], $0x9000  }
0x19e: {  	[sflag:s11] =	ssyncset.done $0x0  }
0x19f: {  	s16 =	simm.s32 $0x280;
	s12 =	rddreg [dreg:$0x7];
	[sflag:s11] =	ssyncadd.s32 $0xFFFF7000  }
0x1a0: {  	[hbm4b:s12+s3] =	stream.linear.scatter [tilespmem:s16], [sflag:$0x3], $0x9000, $0x38;
	[tilespmem:$0x12280] =	vst v63  }
0x1a1: {  	_ =	swait.ge [sflag:s5], $0x9000  }
0x1a2: {  	[sflag:s5] =	ssyncset.done $0x0  }
0x1a3: {  	[sflag:s5] =	ssyncadd.s32 $0xFFFF7000  }
0x1a4: {  	_ =	swait.ge [sflag:s17], $0x9000  }
0x1a5: {  	p0 =	sne.s32 s4, $0x1;
	[sflag:s17] =	ssyncset.done $0x0  }
.Ltmp0:
0x1a6: {  	s16 =	rddreg [dreg:$0x8];
	[sflag:s17] =	ssyncadd.s32 $0xFFFF7000;
	(pc) =	sbr.rel @p0 .LBB2_1-.Ltmp0, $4  }
0x1a7: {  	[hbm4b:s16+s3] =	stream.linear.scatter [tilespmem:s0], [sflag:$0x3], $0x9000, $0x38;
	[tilespmem:$0x12280] =	vst v63  }
0x1a8: {  	_ =	swait.ge [sflag:s5], $0x9000  }
0x1a9: {  	[sflag:s5] =	ssyncset.done $0x0  }
0x1aa: {  	s4 =	sadd.s32 $0xFFFFFFFF, s4;
	[sflag:s5] =	ssyncadd.s32 $0xFFFF7000  }
0x1ab: {  	_ =	sfence.sel $0x180000  }
0x1ac: {  	[bflag:$0x0] =	sbarrier.arrive $0xFFFF  }
0x1ad: {  	_ =	strace $0x90000047  }
0x1ae: {  	s0 =	stileid.u32;
	[bflag:$0x2] =	sbarrier.arrive $0xFFFF  }
0x1af: {  	p0 =	sne.s32 s0, $0x0;
	s0 =	rddreg [dreg:$0x3]  }
0x1b0: {  	s0 =	sadd.s32 @!p0 $0x100000, s0  }
0x1b1: {  	[sflag:s0] =	ssyncadd.tile.s32 @!p0 $0x1;
	_ =	shalt  }
.Lfunc_end2:
_tile_overlayer_lowered:
.L_overlay_start_2:
0x1b2: {  	(tag) =	ssettag $0x2  }
0x1b3: {  	s0 =	rddreg [dreg:$0x0];
	s2 =	stileid.u32  }
0x1b4: {  	s1 =	rddreg [dreg:$0x1];
	p0 =	sne.s32 s2, $0x0  }
0x1b5: {  	s3 =	rddreg [dreg:$0x2];
	[bflag:$0x3] =	sbarrier.arrive $0xFFFF;
	s2 =	simm.s32 @!p0 $0x1C03  }
0x1b6: {  	[timem:s3], [sflag:s2] =	dma.local @!p0 [hbm:s0], s1  }
0x1b7: {  	s0 =	simm.s32 @!p0 $0x3  }
0x1b8: {  	_ =	swait.ge @!p0 [sflag:s0], s1  }
0x1b9: {  	s1 =	ssub.s32 @!p0 $0x0, s1;
	[sflag:s0] =	ssyncset.done @!p0 $0x0  }
0x1ba: {  	[sflag:s0] =	ssyncadd.s32 @!p0 s1  }
0x1bb: {  	[bflag:$0x3] =	sbarrier.arrive $0xFFFF  }
0x1bc: {  	_ =	shalt  }

</sc_bundles>
